<compile_context>
chip_gen: v7x
topology: tpu7x:2x2x1
jax: 0.10.2.dev20260603
libtpu: 0.0.44.dev20260713+nightly
codegen_flags: <defaults>
</compile_context>

<pallas_src>
import functools

import jax
import jax.numpy as jnp
from jax import lax
from jax.experimental import pallas as pl
from jax.experimental.pallas import tpu as pltpu
from jax.experimental.pallas import tpu_sc as plsc

N = 10000
E = 320000
D = 128
H = 64
G = 64

NP = 10240
RPT = NP // 16
NE = E + N
NB = 2
SCH = 162
CH = SCH + NB
EPT = CH * 128
EP = 16 * EPT

_mesh = plsc.VectorSubcoreMesh(core_axis_name="c", subcore_axis_name="s")
_sc_params = pltpu.CompilerParams(use_tc_tiling_on_sc=False)


@functools.partial(
    pl.kernel,
    out_type=jax.ShapeDtypeStruct((2, NP), jnp.float32),
    mesh=_mesh,
    scratch_types=[
        pltpu.VMEM((CH, 128), jnp.int32),
        pltpu.VMEM((128,), jnp.float32),
        pltpu.VMEM((RPT,), jnp.float32),
        pltpu.VMEM_SHARED((NP,), jnp.float32),
    ],
    compiler_params=_sc_params,
)
def _sc_deg(dst_hbm, deg_out, dstbuf, ones, zbuf, deg_sh):
    c = lax.axis_index("c")
    s = lax.axis_index("s")

    @pl.loop(0, 128, step=16)
    def _(i):
        ones[pl.ds(i, 16)] = jnp.full((16,), 1.0, jnp.float32)

    @pl.loop(0, RPT, step=16)
    def _(i):
        zbuf[pl.ds(i, 16)] = jnp.zeros((16,), jnp.float32)

    pltpu.sync_copy(zbuf, deg_sh.at[pl.ds(s * RPT, RPT)])
    plsc.subcore_barrier()

    pltpu.sync_copy(dst_hbm.at[c, s], dstbuf)

    @pl.loop(0, CH)
    def _(j):
        pltpu.sync_copy(ones, deg_sh.at[dstbuf.at[j]], add=True)

    plsc.subcore_barrier()
    pltpu.sync_copy(deg_sh.at[pl.ds(s * RPT, RPT)],
                    deg_out.at[c, pl.ds(s * RPT, RPT)])


@functools.partial(
    pl.kernel,
    out_type=jax.ShapeDtypeStruct((2, NP, H), jnp.bfloat16),
    mesh=_mesh,
    scratch_types=[
        pltpu.VMEM((CH, 128), jnp.int32),
        pltpu.VMEM((CH, 128), jnp.int32),
        [pltpu.VMEM((128, H), jnp.bfloat16) for _ in range(NB)],
        [pltpu.SemaphoreType.DMA for _ in range(NB)],
        [pltpu.SemaphoreType.DMA for _ in range(NB)],
        pltpu.VMEM_SHARED((NP, H), jnp.bfloat16),
    ],
    compiler_params=_sc_params,
)
def _sc_agg(scaled_hbm, src_hbm, dst_hbm, acc_out,
            srcbuf, dstbuf, bufs, gsems, ssems, acc_sh):
    c = lax.axis_index("c")
    s = lax.axis_index("s")

    @pl.loop(0, 128)
    def _(r):
        @pl.loop(0, H, step=32)
        def _(k):
            bufs[0][r, pl.ds(k, 32)] = jnp.zeros((32,), jnp.bfloat16)

    @pl.loop(0, RPT // 128)
    def _(k):
        pltpu.sync_copy(bufs[0], acc_sh.at[pl.ds(s * RPT + k * 128, 128)])

    plsc.subcore_barrier()

    pltpu.sync_copy(src_hbm.at[c, s], srcbuf)
    pltpu.sync_copy(dst_hbm.at[c, s], dstbuf)

    def gather(j, k):
        pltpu.async_copy(scaled_hbm.at[srcbuf.at[j]], bufs[k], gsems[k])

    def gwait(j, k):
        pltpu.make_async_copy(scaled_hbm.at[srcbuf.at[j]], bufs[k],
                              gsems[k]).wait()

    def scat(j, k):
        pltpu.async_copy(bufs[k], acc_sh.at[dstbuf.at[j]], ssems[k], add=True)

    def swait(j, k):
        pltpu.make_async_copy(bufs[k], acc_sh.at[dstbuf.at[j]],
                              ssems[k]).wait()

    for k in range(NB):
        gather(k, k)

    @pl.loop(0, SCH, step=NB)
    def _(j):
        for k in range(NB):
            gwait(j + k, k)
            scat(j + k, k)
            swait(j + k, k)
            gather(j + NB + k, k)

    for k in range(NB):
        gwait(SCH + k, k)

    plsc.subcore_barrier()

    @pl.loop(0, RPT // 128)
    def _(k):
        off = s * RPT + k * 128
        pltpu.sync_copy(acc_sh.at[pl.ds(off, 128)],
                        acc_out.at[c, pl.ds(off, 128)])


def _tc_scale_body(x_ref, w_ref, deg_ref, o_ref):
    h = jnp.dot(x_ref[...], w_ref[...], preferred_element_type=jnp.float32)
    dinv = lax.rsqrt(jnp.maximum(deg_ref[...], 1.0))
    o_ref[...] = (h * dinv).astype(jnp.bfloat16)


def _tc_scale(xcat, w, degcol):
    blk = 1024
    grid = (2 * NP // blk,)
    return pl.pallas_call(
        _tc_scale_body,
        grid=grid,
        in_specs=[
            pl.BlockSpec((blk, D), lambda i: (i, 0)),
            pl.BlockSpec((D, H), lambda i: (0, 0)),
            pl.BlockSpec((blk, 1), lambda i: (i, 0)),
        ],
        out_specs=pl.BlockSpec((blk, H), lambda i: (i, 0)),
        out_shape=jax.ShapeDtypeStruct((2 * NP, H), jnp.bfloat16),
    )(xcat, w, degcol)


def _tc_head_body(acc_ref, deg_ref, batch_ref, bg_ref,
                  w1_ref, b1_ref, w2_ref, b2_ref, w3_ref, b3_ref,
                  w4_ref, b4_ref, o_ref):
    means = []
    for g in range(2):
        accg = acc_ref[g].astype(jnp.float32)
        degg = deg_ref[g]
        dinv = lax.rsqrt(jnp.maximum(degg, 1.0))
        outg = jnp.maximum(accg * dinv + bg_ref[...], 0.0)
        batchg = batch_ref[g]
        iot = lax.broadcasted_iota(jnp.int32, (G, NP), 0)
        oh = (iot == batchg).astype(jnp.float32)
        sums = jnp.dot(oh, outg, preferred_element_type=jnp.float32)
        cnts = jnp.sum(oh, axis=1, keepdims=True)
        means.append(sums / jnp.maximum(cnts, 1.0))
    z = jnp.concatenate(means, axis=1)
    z = jnp.maximum(jnp.dot(z, w1_ref[...],
                            preferred_element_type=jnp.float32) + b1_ref[...], 0.0)
    z = jnp.maximum(jnp.dot(z, w2_ref[...],
                            preferred_element_type=jnp.float32) + b2_ref[...], 0.0)
    z = jnp.maximum(jnp.dot(z, w3_ref[...],
                            preferred_element_type=jnp.float32) + b3_ref[...], 0.0)
    z = jnp.dot(z, w4_ref[...], preferred_element_type=jnp.float32) + b4_ref[...]
    o_ref[...] = 1.0 / (1.0 + jnp.exp(-z))


def _tc_head(acc3, deg3, batch3, bg, w1, b1, w2, b2, w3, b3, w4, b4):
    return pl.pallas_call(
        _tc_head_body,
        out_shape=jax.ShapeDtypeStruct((G, 1), jnp.float32),
    )(acc3, deg3, batch3, bg, w1, b1, w2, b2, w3, b3, w4, b4)


def kernel(x_1, edge_index_1, x_1_batch, x_2, edge_index_2, x_2_batch,
           W_gcn, b_gcn, l1_w, l1_b, l2_w, l2_b, l3_w, l3_b, l4_w, l4_b):
    loop = jnp.arange(N, dtype=jnp.int32)

    def prep(ei, g):
        src = jnp.concatenate([ei[0], loop])
        dst = jnp.concatenate([ei[1], loop])
        src = jnp.pad(src, (0, EP - NE)) + g * NP
        dst = jnp.pad(dst, (0, EP - NE), constant_values=N)
        return src.reshape(16, CH, 128), dst.reshape(16, CH, 128)

    s1, d1 = prep(edge_index_1, 0)
    s2, d2 = prep(edge_index_2, 1)
    srccat = jnp.stack([s1, s2])
    dstcat = jnp.stack([d1, d2])

    xcat = jnp.concatenate([
        jnp.pad(x_1, ((0, NP - N), (0, 0))),
        jnp.pad(x_2, ((0, NP - N), (0, 0))),
    ])

    deg = _sc_deg(dstcat)
    scaled = _tc_scale(xcat, W_gcn, deg.reshape(2 * NP, 1))
    acc = _sc_agg(scaled, srccat, dstcat)

    batchcat = jnp.stack([
        jnp.pad(x_1_batch, (0, NP - N), constant_values=G),
        jnp.pad(x_2_batch, (0, NP - N), constant_values=G),
    ]).reshape(2, 1, NP)

    return _tc_head(
        acc, deg.reshape(2, NP, 1), batchcat,
        b_gcn.reshape(1, H),
        l1_w, l1_b.reshape(1, 64),
        l2_w, l2_b.reshape(1, 32),
        l3_w, l3_b.reshape(1, 16),
        l4_w, l4_b.reshape(1, 1),
    )

# --- scband reference (transcript-rebuilt; emitter-appended) ---
"""Pipeline reference for scband-graph-pair-classifier-51376398795254 (READ-ONLY COPY).

The authoritative reference and input builder live on the scoring server;
editing this copy changes nothing except your own understanding.
"""

import jax, jax.numpy as jnp
import numpy as np

N = 10000
E = 320000
D = 128
H = 64
G = 64


def setup_inputs(seed: int = 0) -> dict:
    key = jax.random.key(seed)
    ks = jax.random.split(key, 16)
    inp = {}
    inp["x_1"] = jax.random.normal(ks[0], (N, D), dtype=jnp.float32)
    inp["edge_index_1"] = jax.random.randint(ks[1], (2, E), 0, N, dtype=jnp.int32)
    inp["x_1_batch"] = jnp.sort(jax.random.randint(ks[2], (N,), 0, G, dtype=jnp.int32))
    inp["x_2"] = jax.random.normal(ks[3], (N, D), dtype=jnp.float32)
    inp["edge_index_2"] = jax.random.randint(ks[4], (2, E), 0, N, dtype=jnp.int32)
    inp["x_2_batch"] = jnp.sort(jax.random.randint(ks[5], (N,), 0, G, dtype=jnp.int32))
    inp["W_gcn"] = jax.random.normal(ks[6], (D, H), dtype=jnp.float32) * 0.05
    inp["b_gcn"] = jnp.zeros((H,), dtype=jnp.float32)
    inp["l1_w"] = jax.random.normal(ks[7], (2 * H, 64), dtype=jnp.float32) * 0.05
    inp["l1_b"] = jnp.zeros((64,), dtype=jnp.float32)
    inp["l2_w"] = jax.random.normal(ks[8], (64, 32), dtype=jnp.float32) * 0.05
    inp["l2_b"] = jnp.zeros((32,), dtype=jnp.float32)
    inp["l3_w"] = jax.random.normal(ks[9], (32, 16), dtype=jnp.float32) * 0.05
    inp["l3_b"] = jnp.zeros((16,), dtype=jnp.float32)
    inp["l4_w"] = jax.random.normal(ks[10], (16, 1), dtype=jnp.float32) * 0.05
    inp["l4_b"] = jnp.zeros((1,), dtype=jnp.float32)
    return inp


def _gcn_encoder(x, edge_index, batch, W, b):
    # GCNConv with self-loops and symmetric normalization, then ReLU + global mean pool
    n = x.shape[0]
    src = edge_index[0]
    dst = edge_index[1]
    loop = jnp.arange(n, dtype=edge_index.dtype)
    src = jnp.concatenate([src, loop])
    dst = jnp.concatenate([dst, loop])
    deg = jnp.zeros((n,), dtype=x.dtype).at[dst].add(1.0)
    dinv = jnp.where(deg > 0, 1.0 / jnp.sqrt(deg), 0.0)
    norm = dinv[src] * dinv[dst]
    h = x @ W
    out = jnp.zeros((n, W.shape[1]), dtype=x.dtype).at[dst].add(h[src] * norm[:, None])
    out = jax.nn.relu(out + b)
    sums = jax.ops.segment_sum(out, batch, num_segments=G)
    cnts = jax.ops.segment_sum(jnp.ones((n,), dtype=x.dtype), batch, num_segments=G)
    return sums / jnp.maximum(cnts, 1.0)[:, None]


def reference(x_1, edge_index_1, x_1_batch, x_2, edge_index_2, x_2_batch,
              W_gcn, b_gcn, l1_w, l1_b, l2_w, l2_b, l3_w, l3_b, l4_w, l4_b):
    z1 = _gcn_encoder(x_1, edge_index_1, x_1_batch, W_gcn, b_gcn)
    z2 = _gcn_encoder(x_2, edge_index_2, x_2_batch, W_gcn, b_gcn)
    z = jnp.concatenate([z1, z2], axis=1)
    z = jax.nn.relu(z @ l1_w + l1_b)
    z = jax.nn.relu(z @ l2_w + l2_b)
    z = jax.nn.relu(z @ l3_w + l3_b)
    z = z @ l4_w + l4_b
    return jax.nn.sigmoid(z)

if __name__ == "__main__":
    import jax
    _d = setup_inputs()
    print(jax.jit(kernel)(*tuple(_d.values())))

</pallas_src>

<mosaic_0001>
#map = affine_map<(d0, d1) -> (0, 0, 0, 0)>
#map1 = affine_map<(d0, d1) -> (0, 0)>
module attributes {stable_mosaic.version = 14 : i64} {
  func.func @_sc_deg(%arg0: i32, %arg1: i32, %arg2: memref<2x16x164x128xi32, #tpu.memory_space<hbm>>, %arg3: memref<2x10240xf32, #tpu.memory_space<hbm>>, %arg4: memref<164x128xi32, #tpu.memory_space<vmem>>, %arg5: memref<128xf32, #tpu.memory_space<vmem>>, %arg6: memref<640xf32, #tpu.memory_space<vmem>>, %arg7: memref<10240xf32, #tpu.memory_space<vmem_shared>>) attributes {dimension_semantics = [#tpu.dimension_semantics<core_parallel>, #tpu.dimension_semantics<subcore_parallel>], iteration_bounds = array<i64: 2, 16>, scalar_prefetch = 0 : i64, scratch_operands = 4 : i64, tpu.core_type = #tpu.core_type<sc_vector_subcore>, window_params = [{transform_indices = #map}, {transform_indices = #map1}]} {
    %scan3A = arith.constant 0 : i32
    %scan3A_0 = arith.constant 8 : i32
    %scan3A_1 = arith.addi %scan3A, %scan3A_0 : i32
    %scan3A_2 = arith.constant 1 : i32
    scf.for %scan3A_20 = %scan3A to %scan3A_1 step %scan3A_2  : i32 {
      %mul3A_21 = arith.constant 16 : i32
      %mul3A_22 = arith.muli %scan3A_20, %mul3A_21 : i32
      %add3A = arith.constant 0 : i32
      %add3A_23 = arith.addi %add3A, %mul3A_22 : i32
      %broadcast_in_dim3A = arith.constant 1.000000e+00 : f32
      %broadcast_in_dim3A_24 = vector.broadcast %broadcast_in_dim3A : f32 to vector<16xf32>
      %swap3A = arith.index_cast %add3A_23 : i32 to index
      %swap3A_25 = tpu.vector_load %arg5[%swap3A] {strides = array<i32>} : memref<128xf32, #tpu.memory_space<vmem>>, vector<16xf32>,
      %swap3A_26 = vector.shape_cast %swap3A_25 : vector<16xf32> to vector<16xf32>
      %swap3A_27 = vector.shape_cast %broadcast_in_dim3A_24 : vector<16xf32> to vector<16xf32>
      tpu.vector_store %arg5[%swap3A], %swap3A_27 {strides = array<i32>} : memref<128xf32, #tpu.memory_space<vmem>>, vector<16xf32>,
    }
    %scan3A_3 = arith.constant 8 : i32
    %scan3A_4 = arith.constant 0 : i32
    %scan3A_5 = arith.constant 40 : i32
    %scan3A_6 = arith.addi %scan3A_4, %scan3A_5 : i32
    %scan3A_7 = arith.constant 1 : i32
    scf.for %scan3A_20 = %scan3A_4 to %scan3A_6 step %scan3A_7  : i32 {
      %mul3A_21 = arith.constant 16 : i32
      %mul3A_22 = arith.muli %scan3A_20, %mul3A_21 : i32
      %add3A = arith.constant 0 : i32
      %add3A_23 = arith.addi %add3A, %mul3A_22 : i32
      %broadcast_in_dim3A = arith.constant 0.000000e+00 : f32
      %broadcast_in_dim3A_24 = vector.broadcast %broadcast_in_dim3A : f32 to vector<16xf32>
      %swap3A = arith.index_cast %add3A_23 : i32 to index
      %swap3A_25 = tpu.vector_load %arg6[%swap3A] {strides = array<i32>} : memref<640xf32, #tpu.memory_space<vmem>>, vector<16xf32>,
      %swap3A_26 = vector.shape_cast %swap3A_25 : vector<16xf32> to vector<16xf32>
      %swap3A_27 = vector.shape_cast %broadcast_in_dim3A_24 : vector<16xf32> to vector<16xf32>
      tpu.vector_store %arg6[%swap3A], %swap3A_27 {strides = array<i32>} : memref<640xf32, #tpu.memory_space<vmem>>, vector<16xf32>,
    }
    %scan3A_8 = arith.constant 40 : i32
    %mul3A = arith.constant 640 : i32
    %mul3A_9 = arith.muli %arg1, %mul3A : i32
    "tpu.region"() ({
      %run_scoped3A = tpu.sem_alloc : memref<!tpu.dma_semaphore, #tpu.memory_space<semaphore_mem>>
      %dma_start3A = tpu.memref_slice %arg7[%mul3A_9] : memref<10240xf32, #tpu.memory_space<vmem_shared>> -> memref<640xf32, #tpu.memory_space<vmem_shared>>
      %dma_start3A_20 = tpu.memref_slice %arg7[%mul3A_9] : memref<10240xf32, #tpu.memory_space<vmem_shared>> -> memref<640xf32, #tpu.memory_space<vmem_shared>>
      tpu.enqueue_dma source(%arg6 : memref<640xf32, #tpu.memory_space<vmem>>) target(%dma_start3A_20 : memref<640xf32, #tpu.memory_space<vmem_shared>>) target_semaphore(%run_scoped3A : memref<!tpu.dma_semaphore, #tpu.memory_space<semaphore_mem>>)
      %dma_wait3A = tpu.memref_slice %arg7[%mul3A_9] : memref<10240xf32, #tpu.memory_space<vmem_shared>> -> memref<640xf32, #tpu.memory_space<vmem_shared>>
      %dma_wait3A_21 = tpu.memref_slice %arg7[%mul3A_9] : memref<10240xf32, #tpu.memory_space<vmem_shared>> -> memref<640xf32, #tpu.memory_space<vmem_shared>>
      tpu.wait_dma2 semaphore(%run_scoped3A : memref<!tpu.dma_semaphore, #tpu.memory_space<semaphore_mem>>) src(%arg6 : memref<640xf32, #tpu.memory_space<vmem>>) dst(%dma_wait3A_21 : memref<640xf32, #tpu.memory_space<vmem_shared>>)
      tpu.yield
    }) : () -> ()
    %barrier3A = arith.constant 0 : index
    tpu.barrier barrier_id(%barrier3A)
    "tpu.region"() ({
      %run_scoped3A = tpu.sem_alloc : memref<!tpu.dma_semaphore, #tpu.memory_space<semaphore_mem>>
      %dma_start3A = arith.constant 0 : i32
      %dma_start3A_20 = arith.constant 0 : i32
      %dma_start3A_21 = tpu.memref_slice %arg2[%arg0, %arg1, %dma_start3A, %dma_start3A_20] : memref<2x16x164x128xi32, #tpu.memory_space<hbm>> -> memref<1x1x164x128xi32, #tpu.memory_space<hbm>>
      %dma_start3A_22 = tpu.memref_squeeze %dma_start3A_21 : memref<1x1x164x128xi32, #tpu.memory_space<hbm>> -> memref<164x128xi32, #tpu.memory_space<hbm>>
      %dma_start3A_23 = arith.constant 0 : i32
      %dma_start3A_24 = arith.constant 0 : i32
      %dma_start3A_25 = tpu.memref_slice %arg2[%arg0, %arg1, %dma_start3A_23, %dma_start3A_24] : memref<2x16x164x128xi32, #tpu.memory_space<hbm>> -> memref<1x1x164x128xi32, #tpu.memory_space<hbm>>
      %dma_start3A_26 = tpu.memref_squeeze %dma_start3A_25 : memref<1x1x164x128xi32, #tpu.memory_space<hbm>> -> memref<164x128xi32, #tpu.memory_space<hbm>>
      tpu.enqueue_dma source(%dma_start3A_26 : memref<164x128xi32, #tpu.memory_space<hbm>>) target(%arg4 : memref<164x128xi32, #tpu.memory_space<vmem>>) target_semaphore(%run_scoped3A : memref<!tpu.dma_semaphore, #tpu.memory_space<semaphore_mem>>)
      %dma_wait3A = arith.constant 0 : i32
      %dma_wait3A_27 = arith.constant 0 : i32
      %dma_wait3A_28 = tpu.memref_slice %arg2[%arg0, %arg1, %dma_wait3A, %dma_wait3A_27] : memref<2x16x164x128xi32, #tpu.memory_space<hbm>> -> memref<1x1x164x128xi32, #tpu.memory_space<hbm>>
      %dma_wait3A_29 = tpu.memref_squeeze %dma_wait3A_28 : memref<1x1x164x128xi32, #tpu.memory_space<hbm>> -> memref<164x128xi32, #tpu.memory_space<hbm>>
      %dma_wait3A_30 = arith.constant 0 : i32
      %dma_wait3A_31 = arith.constant 0 : i32
      %dma_wait3A_32 = tpu.memref_slice %arg2[%arg0, %arg1, %dma_wait3A_30, %dma_wait3A_31] : memref<2x16x164x128xi32, #tpu.memory_space<hbm>> -> memref<1x1x164x128xi32, #tpu.memory_space<hbm>>
      %dma_wait3A_33 = tpu.memref_squeeze %dma_wait3A_32 : memref<1x1x164x128xi32, #tpu.memory_space<hbm>> -> memref<164x128xi32, #tpu.memory_space<hbm>>
      tpu.wait_dma2 semaphore(%run_scoped3A : memref<!tpu.dma_semaphore, #tpu.memory_space<semaphore_mem>>) src(%dma_wait3A_33 : memref<164x128xi32, #tpu.memory_space<hbm>>) dst(%arg4 : memref<164x128xi32, #tpu.memory_space<vmem>>)
      tpu.yield
    }) : () -> ()
    %scan3A_10 = arith.constant 0 : i32
    %scan3A_11 = arith.constant 164 : i32
    %scan3A_12 = arith.addi %scan3A_10, %scan3A_11 : i32
    %scan3A_13 = arith.constant 1 : i32
    scf.for %scan3A_20 = %scan3A_10 to %scan3A_12 step %scan3A_13  : i32 {
      %mul3A_21 = arith.constant 1 : i32
      %mul3A_22 = arith.muli %scan3A_20, %mul3A_21 : i32
      %add3A = arith.constant 0 : i32
      %add3A_23 = arith.addi %add3A, %mul3A_22 : i32
      "tpu.region"() ({
        %run_scoped3A = tpu.sem_alloc : memref<!tpu.dma_semaphore, #tpu.memory_space<semaphore_mem>>
        %dma_start3A = arith.constant 0 : i32
        %dma_start3A_24 = tpu.memref_slice %arg4[%add3A_23, %dma_start3A] : memref<164x128xi32, #tpu.memory_space<vmem>> -> memref<1x128xi32, #tpu.memory_space<vmem>>
        %dma_start3A_25 = tpu.memref_squeeze %dma_start3A_24 : memref<1x128xi32, #tpu.memory_space<vmem>> -> memref<128xi32, #tpu.memory_space<vmem>>
        %dma_start3A_26 = arith.constant 0 : i32
        %dma_start3A_27 = tpu.memref_slice %arg7[%dma_start3A_26] : memref<10240xf32, #tpu.memory_space<vmem_shared>> -> memref<10240xf32, #tpu.memory_space<vmem_shared>>
        tpu.enqueue_indirect_dma source(%arg5 : memref<128xf32, #tpu.memory_space<vmem>>) target(%dma_start3A_27 : memref<10240xf32, #tpu.memory_space<vmem_shared>>) offsets(%dma_start3A_25 : memref<128xi32, #tpu.memory_space<vmem>>) semaphore(%run_scoped3A : memref<!tpu.dma_semaphore, #tpu.memory_space<semaphore_mem>>) {add = true}
        %dma_wait3A = arith.constant 0 : i32
        %dma_wait3A_28 = tpu.memref_slice %arg4[%add3A_23, %dma_wait3A] : memref<164x128xi32, #tpu.memory_space<vmem>> -> memref<1x128xi32, #tpu.memory_space<vmem>>
        %dma_wait3A_29 = tpu.memref_squeeze %dma_wait3A_28 : memref<1x128xi32, #tpu.memory_space<vmem>> -> memref<128xi32, #tpu.memory_space<vmem>>
        %dma_wait3A_30 = arith.constant 0 : i32
        %dma_wait3A_31 = tpu.memref_slice %arg7[%dma_wait3A_30] : memref<10240xf32, #tpu.memory_space<vmem_shared>> -> memref<10240xf32, #tpu.memory_space<vmem_shared>>
        tpu.wait_indirect_dma semaphore(%run_scoped3A : memref<!tpu.dma_semaphore, #tpu.memory_space<semaphore_mem>>) src(%arg5 : memref<128xf32, #tpu.memory_space<vmem>>) dst(%dma_wait3A_31 : memref<10240xf32, #tpu.memory_space<vmem_shared>>)
        tpu.yield
      }) : () -> ()
    }
    %scan3A_14 = arith.constant 164 : i32
    %barrier3A_15 = arith.constant 0 : index
    tpu.barrier barrier_id(%barrier3A_15)
    %mul3A_16 = arith.constant 640 : i32
    %mul3A_17 = arith.muli %arg1, %mul3A_16 : i32
    %mul3A_18 = arith.constant 640 : i32
    %mul3A_19 = arith.muli %arg1, %mul3A_18 : i32
    "tpu.region"() ({
      %run_scoped3A = tpu.sem_alloc : memref<!tpu.dma_semaphore, #tpu.memory_space<semaphore_mem>>
      %dma_start3A = tpu.memref_slice %arg3[%arg0, %mul3A_19] : memref<2x10240xf32, #tpu.memory_space<hbm>> -> memref<1x640xf32, #tpu.memory_space<hbm>>
      %dma_start3A_20 = tpu.memref_squeeze %dma_start3A : memref<1x640xf32, #tpu.memory_space<hbm>> -> memref<640xf32, #tpu.memory_space<hbm>>
      %dma_start3A_21 = tpu.memref_slice %arg7[%mul3A_17] : memref<10240xf32, #tpu.memory_space<vmem_shared>> -> memref<640xf32, #tpu.memory_space<vmem_shared>>
      tpu.enqueue_dma source(%dma_start3A_21 : memref<640xf32, #tpu.memory_space<vmem_shared>>) target(%dma_start3A_20 : memref<640xf32, #tpu.memory_space<hbm>>) target_semaphore(%run_scoped3A : memref<!tpu.dma_semaphore, #tpu.memory_space<semaphore_mem>>)
      %dma_wait3A = tpu.memref_slice %arg3[%arg0, %mul3A_19] : memref<2x10240xf32, #tpu.memory_space<hbm>> -> memref<1x640xf32, #tpu.memory_space<hbm>>
      %dma_wait3A_22 = tpu.memref_squeeze %dma_wait3A : memref<1x640xf32, #tpu.memory_space<hbm>> -> memref<640xf32, #tpu.memory_space<hbm>>
      %dma_wait3A_23 = tpu.memref_slice %arg7[%mul3A_17] : memref<10240xf32, #tpu.memory_space<vmem_shared>> -> memref<640xf32, #tpu.memory_space<vmem_shared>>
      tpu.wait_dma2 semaphore(%run_scoped3A : memref<!tpu.dma_semaphore, #tpu.memory_space<semaphore_mem>>) src(%dma_wait3A_23 : memref<640xf32, #tpu.memory_space<vmem_shared>>) dst(%dma_wait3A_22 : memref<640xf32, #tpu.memory_space<hbm>>)
      tpu.yield
    }) : () -> ()
    return
  }
}

#map = affine_map<(d0, d1) -> (0, 0)>
#map1 = affine_map<(d0, d1) -> (0, 0, 0, 0)>
#map2 = affine_map<(d0, d1) -> (0, 0, 0)>
module attributes {stable_mosaic.version = 14 : i64} {
  func.func @_sc_agg(%arg0: i32, %arg1: i32, %arg2: memref<20480x64xbf16, #tpu.memory_space<hbm>>, %arg3: memref<2x16x164x128xi32, #tpu.memory_space<hbm>>, %arg4: memref<2x16x164x128xi32, #tpu.memory_space<hbm>>, %arg5: memref<2x10240x64xbf16, #tpu.memory_space<hbm>>, %arg6: memref<164x128xi32, #tpu.memory_space<vmem>>, %arg7: memref<164x128xi32, #tpu.memory_space<vmem>>, %arg8: memref<128x64xbf16, #tpu.memory_space<vmem>>, %arg9: memref<128x64xbf16, #tpu.memory_space<vmem>>, %arg10: memref<!tpu.dma_semaphore, #tpu.memory_space<semaphore_mem>>, %arg11: memref<!tpu.dma_semaphore, #tpu.memory_space<semaphore_mem>>, %arg12: memref<!tpu.dma_semaphore, #tpu.memory_space<semaphore_mem>>, %arg13: memref<!tpu.dma_semaphore, #tpu.memory_space<semaphore_mem>>, %arg14: memref<10240x64xbf16, #tpu.memory_space<vmem_shared>>) attributes {dimension_semantics = [#tpu.dimension_semantics<core_parallel>, #tpu.dimension_semantics<subcore_parallel>], iteration_bounds = array<i64: 2, 16>, scalar_prefetch = 0 : i64, scratch_operands = 9 : i64, tpu.core_type = #tpu.core_type<sc_vector_subcore>, window_params = [{transform_indices = #map}, {transform_indices = #map1}, {transform_indices = #map1}, {transform_indices = #map2}]} {
    %scan3A = arith.constant 0 : i32
    %scan3A_0 = arith.constant 128 : i32
    %scan3A_1 = arith.addi %scan3A, %scan3A_0 : i32
    %scan3A_2 = arith.constant 1 : i32
    scf.for %scan3A_46 = %scan3A to %scan3A_1 step %scan3A_2  : i32 {
      %mul3A = arith.constant 1 : i32
      %mul3A_47 = arith.muli %scan3A_46, %mul3A : i32
      %add3A = arith.constant 0 : i32
      %add3A_48 = arith.addi %add3A, %mul3A_47 : i32
      %scan3A_49 = arith.constant 0 : i32
      %scan3A_50 = arith.constant 2 : i32
      %scan3A_51 = arith.addi %scan3A_49, %scan3A_50 : i32
      %scan3A_52 = arith.constant 1 : i32
      scf.for %scan3A_54 = %scan3A_49 to %scan3A_51 step %scan3A_52  : i32 {
        %mul3A_55 = arith.constant 32 : i32
        %mul3A_56 = arith.muli %scan3A_54, %mul3A_55 : i32
        %add3A_57 = arith.constant 0 : i32
        %add3A_58 = arith.addi %add3A_57, %mul3A_56 : i32
        %broadcast_in_dim3A = arith.constant 0.000000e+00 : bf16
        %broadcast_in_dim3A_59 = vector.broadcast %broadcast_in_dim3A : bf16 to vector<32xbf16>
        %swap3A = arith.index_cast %add3A_48 : i32 to index
        %swap3A_60 = arith.index_cast %add3A_58 : i32 to index
        %swap3A_61 = tpu.vector_load %arg8[%swap3A, %swap3A_60] {strides = array<i32>} : memref<128x64xbf16, #tpu.memory_space<vmem>>, vector<1x32xbf16>,
        %swap3A_62 = vector.shape_cast %swap3A_61 : vector<1x32xbf16> to vector<32xbf16>
        %swap3A_63 = vector.shape_cast %broadcast_in_dim3A_59 : vector<32xbf16> to vector<1x32xbf16>
        tpu.vector_store %arg8[%swap3A, %swap3A_60], %swap3A_63 {strides = array<i32>} : memref<128x64xbf16, #tpu.memory_space<vmem>>, vector<1x32xbf16>,
      }
      %scan3A_53 = arith.constant 2 : i32
    }
    %scan3A_3 = arith.constant 128 : i32
    %scan3A_4 = arith.constant 0 : i32
    %scan3A_5 = arith.constant 5 : i32
    %scan3A_6 = arith.addi %scan3A_4, %scan3A_5 : i32
    %scan3A_7 = arith.constant 1 : i32
    scf.for %scan3A_46 = %scan3A_4 to %scan3A_6 step %scan3A_7  : i32 {
      %mul3A = arith.constant 1 : i32
      %mul3A_47 = arith.muli %scan3A_46, %mul3A : i32
      %add3A = arith.constant 0 : i32
      %add3A_48 = arith.addi %add3A, %mul3A_47 : i32
      %mul3A_49 = arith.constant 640 : i32
      %mul3A_50 = arith.muli %arg1, %mul3A_49 : i32
      %mul3A_51 = arith.constant 128 : i32
      %mul3A_52 = arith.muli %add3A_48, %mul3A_51 : i32
      %add3A_53 = arith.addi %mul3A_50, %mul3A_52 : i32
      "tpu.region"() ({
        %run_scoped3A = tpu.sem_alloc : memref<!tpu.dma_semaphore, #tpu.memory_space<semaphore_mem>>
        %dma_start3A_54 = arith.constant 0 : i32
        %dma_start3A_55 = tpu.memref_slice %arg14[%add3A_53, %dma_start3A_54] : memref<10240x64xbf16, #tpu.memory_space<vmem_shared>> -> memref<128x64xbf16, #tpu.memory_space<vmem_shared>>
        %dma_start3A_56 = arith.constant 0 : i32
        %dma_start3A_57 = tpu.memref_slice %arg14[%add3A_53, %dma_start3A_56] : memref<10240x64xbf16, #tpu.memory_space<vmem_shared>> -> memref<128x64xbf16, #tpu.memory_space<vmem_shared>>
        tpu.enqueue_dma source(%arg8 : memref<128x64xbf16, #tpu.memory_space<vmem>>) target(%dma_start3A_57 : memref<128x64xbf16, #tpu.memory_space<vmem_shared>>) target_semaphore(%run_scoped3A : memref<!tpu.dma_semaphore, #tpu.memory_space<semaphore_mem>>)
        %dma_wait3A_58 = arith.constant 0 : i32
        %dma_wait3A_59 = tpu.memref_slice %arg14[%add3A_53, %dma_wait3A_58] : memref<10240x64xbf16, #tpu.memory_space<vmem_shared>> -> memref<128x64xbf16, #tpu.memory_space<vmem_shared>>
        %dma_wait3A_60 = arith.constant 0 : i32
        %dma_wait3A_61 = tpu.memref_slice %arg14[%add3A_53, %dma_wait3A_60] : memref<10240x64xbf16, #tpu.memory_space<vmem_shared>> -> memref<128x64xbf16, #tpu.memory_space<vmem_shared>>
        tpu.wait_dma2 semaphore(%run_scoped3A : memref<!tpu.dma_semaphore, #tpu.memory_space<semaphore_mem>>) src(%arg8 : memref<128x64xbf16, #tpu.memory_space<vmem>>) dst(%dma_wait3A_61 : memref<128x64xbf16, #tpu.memory_space<vmem_shared>>)
        tpu.yield
      }) : () -> ()
    }
    %scan3A_8 = arith.constant 5 : i32
    %barrier3A = arith.constant 0 : index
    tpu.barrier barrier_id(%barrier3A)
    "tpu.region"() ({
      %run_scoped3A = tpu.sem_alloc : memref<!tpu.dma_semaphore, #tpu.memory_space<semaphore_mem>>
      %dma_start3A_46 = arith.constant 0 : i32
      %dma_start3A_47 = arith.constant 0 : i32
      %dma_start3A_48 = tpu.memref_slice %arg3[%arg0, %arg1, %dma_start3A_46, %dma_start3A_47] : memref<2x16x164x128xi32, #tpu.memory_space<hbm>> -> memref<1x1x164x128xi32, #tpu.memory_space<hbm>>
      %dma_start3A_49 = tpu.memref_squeeze %dma_start3A_48 : memref<1x1x164x128xi32, #tpu.memory_space<hbm>> -> memref<164x128xi32, #tpu.memory_space<hbm>>
      %dma_start3A_50 = arith.constant 0 : i32
      %dma_start3A_51 = arith.constant 0 : i32
      %dma_start3A_52 = tpu.memref_slice %arg3[%arg0, %arg1, %dma_start3A_50, %dma_start3A_51] : memref<2x16x164x128xi32, #tpu.memory_space<hbm>> -> memref<1x1x164x128xi32, #tpu.memory_space<hbm>>
      %dma_start3A_53 = tpu.memref_squeeze %dma_start3A_52 : memref<1x1x164x128xi32, #tpu.memory_space<hbm>> -> memref<164x128xi32, #tpu.memory_space<hbm>>
      tpu.enqueue_dma source(%dma_start3A_53 : memref<164x128xi32, #tpu.memory_space<hbm>>) target(%arg6 : memref<164x128xi32, #tpu.memory_space<vmem>>) target_semaphore(%run_scoped3A : memref<!tpu.dma_semaphore, #tpu.memory_space<semaphore_mem>>)
      %dma_wait3A_54 = arith.constant 0 : i32
      %dma_wait3A_55 = arith.constant 0 : i32
      %dma_wait3A_56 = tpu.memref_slice %arg3[%arg0, %arg1, %dma_wait3A_54, %dma_wait3A_55] : memref<2x16x164x128xi32, #tpu.memory_space<hbm>> -> memref<1x1x164x128xi32, #tpu.memory_space<hbm>>
      %dma_wait3A_57 = tpu.memref_squeeze %dma_wait3A_56 : memref<1x1x164x128xi32, #tpu.memory_space<hbm>> -> memref<164x128xi32, #tpu.memory_space<hbm>>
      %dma_wait3A_58 = arith.constant 0 : i32
      %dma_wait3A_59 = arith.constant 0 : i32
      %dma_wait3A_60 = tpu.memref_slice %arg3[%arg0, %arg1, %dma_wait3A_58, %dma_wait3A_59] : memref<2x16x164x128xi32, #tpu.memory_space<hbm>> -> memref<1x1x164x128xi32, #tpu.memory_space<hbm>>
      %dma_wait3A_61 = tpu.memref_squeeze %dma_wait3A_60 : memref<1x1x164x128xi32, #tpu.memory_space<hbm>> -> memref<164x128xi32, #tpu.memory_space<hbm>>
      tpu.wait_dma2 semaphore(%run_scoped3A : memref<!tpu.dma_semaphore, #tpu.memory_space<semaphore_mem>>) src(%dma_wait3A_61 : memref<164x128xi32, #tpu.memory_space<hbm>>) dst(%arg6 : memref<164x128xi32, #tpu.memory_space<vmem>>)
      tpu.yield
    }) : () -> ()
    "tpu.region"() ({
      %run_scoped3A = tpu.sem_alloc : memref<!tpu.dma_semaphore, #tpu.memory_space<semaphore_mem>>
      %dma_start3A_46 = arith.constant 0 : i32
      %dma_start3A_47 = arith.constant 0 : i32
      %dma_start3A_48 = tpu.memref_slice %arg4[%arg0, %arg1, %dma_start3A_46, %dma_start3A_47] : memref<2x16x164x128xi32, #tpu.memory_space<hbm>> -> memref<1x1x164x128xi32, #tpu.memory_space<hbm>>
      %dma_start3A_49 = tpu.memref_squeeze %dma_start3A_48 : memref<1x1x164x128xi32, #tpu.memory_space<hbm>> -> memref<164x128xi32, #tpu.memory_space<hbm>>
      %dma_start3A_50 = arith.constant 0 : i32
      %dma_start3A_51 = arith.constant 0 : i32
      %dma_start3A_52 = tpu.memref_slice %arg4[%arg0, %arg1, %dma_start3A_50, %dma_start3A_51] : memref<2x16x164x128xi32, #tpu.memory_space<hbm>> -> memref<1x1x164x128xi32, #tpu.memory_space<hbm>>
      %dma_start3A_53 = tpu.memref_squeeze %dma_start3A_52 : memref<1x1x164x128xi32, #tpu.memory_space<hbm>> -> memref<164x128xi32, #tpu.memory_space<hbm>>
      tpu.enqueue_dma source(%dma_start3A_53 : memref<164x128xi32, #tpu.memory_space<hbm>>) target(%arg7 : memref<164x128xi32, #tpu.memory_space<vmem>>) target_semaphore(%run_scoped3A : memref<!tpu.dma_semaphore, #tpu.memory_space<semaphore_mem>>)
      %dma_wait3A_54 = arith.constant 0 : i32
      %dma_wait3A_55 = arith.constant 0 : i32
      %dma_wait3A_56 = tpu.memref_slice %arg4[%arg0, %arg1, %dma_wait3A_54, %dma_wait3A_55] : memref<2x16x164x128xi32, #tpu.memory_space<hbm>> -> memref<1x1x164x128xi32, #tpu.memory_space<hbm>>
      %dma_wait3A_57 = tpu.memref_squeeze %dma_wait3A_56 : memref<1x1x164x128xi32, #tpu.memory_space<hbm>> -> memref<164x128xi32, #tpu.memory_space<hbm>>
      %dma_wait3A_58 = arith.constant 0 : i32
      %dma_wait3A_59 = arith.constant 0 : i32
      %dma_wait3A_60 = tpu.memref_slice %arg4[%arg0, %arg1, %dma_wait3A_58, %dma_wait3A_59] : memref<2x16x164x128xi32, #tpu.memory_space<hbm>> -> memref<1x1x164x128xi32, #tpu.memory_space<hbm>>
      %dma_wait3A_61 = tpu.memref_squeeze %dma_wait3A_60 : memref<1x1x164x128xi32, #tpu.memory_space<hbm>> -> memref<164x128xi32, #tpu.memory_space<hbm>>
      tpu.wait_dma2 semaphore(%run_scoped3A : memref<!tpu.dma_semaphore, #tpu.memory_space<semaphore_mem>>) src(%dma_wait3A_61 : memref<164x128xi32, #tpu.memory_space<hbm>>) dst(%arg7 : memref<164x128xi32, #tpu.memory_space<vmem>>)
      tpu.yield
    }) : () -> ()
    %dma_start3A = arith.constant 0 : i32
    %dma_start3A_9 = arith.constant 0 : i32
    %dma_start3A_10 = tpu.memref_slice %arg6[%dma_start3A, %dma_start3A_9] : memref<164x128xi32, #tpu.memory_space<vmem>> -> memref<1x128xi32, #tpu.memory_space<vmem>>
    %dma_start3A_11 = tpu.memref_squeeze %dma_start3A_10 : memref<1x128xi32, #tpu.memory_space<vmem>> -> memref<128xi32, #tpu.memory_space<vmem>>
    %dma_start3A_12 = arith.constant 0 : i32
    %dma_start3A_13 = arith.constant 0 : i32
    %dma_start3A_14 = tpu.memref_slice %arg2[%dma_start3A_12, %dma_start3A_13] : memref<20480x64xbf16, #tpu.memory_space<hbm>> -> memref<20480x64xbf16, #tpu.memory_space<hbm>>
    tpu.enqueue_indirect_dma source(%dma_start3A_14 : memref<20480x64xbf16, #tpu.memory_space<hbm>>) target(%arg8 : memref<128x64xbf16, #tpu.memory_space<vmem>>) offsets(%dma_start3A_11 : memref<128xi32, #tpu.memory_space<vmem>>) semaphore(%arg10 : memref<!tpu.dma_semaphore, #tpu.memory_space<semaphore_mem>>)
    %dma_start3A_15 = arith.constant 1 : i32
    %dma_start3A_16 = arith.constant 0 : i32
    %dma_start3A_17 = tpu.memref_slice %arg6[%dma_start3A_15, %dma_start3A_16] : memref<164x128xi32, #tpu.memory_space<vmem>> -> memref<1x128xi32, #tpu.memory_space<vmem>>
    %dma_start3A_18 = tpu.memref_squeeze %dma_start3A_17 : memref<1x128xi32, #tpu.memory_space<vmem>> -> memref<128xi32, #tpu.memory_space<vmem>>
    %dma_start3A_19 = arith.constant 0 : i32
    %dma_start3A_20 = arith.constant 0 : i32
    %dma_start3A_21 = tpu.memref_slice %arg2[%dma_start3A_19, %dma_start3A_20] : memref<20480x64xbf16, #tpu.memory_space<hbm>> -> memref<20480x64xbf16, #tpu.memory_space<hbm>>
    tpu.enqueue_indirect_dma source(%dma_start3A_21 : memref<20480x64xbf16, #tpu.memory_space<hbm>>) target(%arg9 : memref<128x64xbf16, #tpu.memory_space<vmem>>) offsets(%dma_start3A_18 : memref<128xi32, #tpu.memory_space<vmem>>) semaphore(%arg11 : memref<!tpu.dma_semaphore, #tpu.memory_space<semaphore_mem>>)
    %scan3A_22 = arith.constant 0 : i32
    %scan3A_23 = arith.constant 81 : i32
    %scan3A_24 = arith.addi %scan3A_22, %scan3A_23 : i32
    %scan3A_25 = arith.constant 1 : i32
    scf.for %scan3A_46 = %scan3A_22 to %scan3A_24 step %scan3A_25  : i32 {
      %mul3A = arith.constant 2 : i32
      %mul3A_47 = arith.muli %scan3A_46, %mul3A : i32
      %add3A = arith.constant 0 : i32
      %add3A_48 = arith.addi %add3A, %mul3A_47 : i32
      %add3A_49 = arith.constant 0 : i32
      %add3A_50 = arith.addi %add3A_48, %add3A_49 : i32
      %dma_wait3A_51 = arith.constant 0 : i32
      %dma_wait3A_52 = tpu.memref_slice %arg6[%add3A_50, %dma_wait3A_51] : memref<164x128xi32, #tpu.memory_space<vmem>> -> memref<1x128xi32, #tpu.memory_space<vmem>>
      %dma_wait3A_53 = tpu.memref_squeeze %dma_wait3A_52 : memref<1x128xi32, #tpu.memory_space<vmem>> -> memref<128xi32, #tpu.memory_space<vmem>>
      %dma_wait3A_54 = arith.constant 0 : i32
      %dma_wait3A_55 = arith.constant 0 : i32
      %dma_wait3A_56 = tpu.memref_slice %arg2[%dma_wait3A_54, %dma_wait3A_55] : memref<20480x64xbf16, #tpu.memory_space<hbm>> -> memref<20480x64xbf16, #tpu.memory_space<hbm>>
      tpu.wait_indirect_dma semaphore(%arg10 : memref<!tpu.dma_semaphore, #tpu.memory_space<semaphore_mem>>) src(%dma_wait3A_56 : memref<20480x64xbf16, #tpu.memory_space<hbm>>) dst(%arg8 : memref<128x64xbf16, #tpu.memory_space<vmem>>)
      %add3A_57 = arith.constant 0 : i32
      %add3A_58 = arith.addi %add3A_48, %add3A_57 : i32
      %dma_start3A_59 = arith.constant 0 : i32
      %dma_start3A_60 = tpu.memref_slice %arg7[%add3A_58, %dma_start3A_59] : memref<164x128xi32, #tpu.memory_space<vmem>> -> memref<1x128xi32, #tpu.memory_space<vmem>>
      %dma_start3A_61 = tpu.memref_squeeze %dma_start3A_60 : memref<1x128xi32, #tpu.memory_space<vmem>> -> memref<128xi32, #tpu.memory_space<vmem>>
      %dma_start3A_62 = arith.constant 0 : i32
      %dma_start3A_63 = arith.constant 0 : i32
      %dma_start3A_64 = tpu.memref_slice %arg14[%dma_start3A_62, %dma_start3A_63] : memref<10240x64xbf16, #tpu.memory_space<vmem_shared>> -> memref<10240x64xbf16, #tpu.memory_space<vmem_shared>>
      tpu.enqueue_indirect_dma source(%arg8 : memref<128x64xbf16, #tpu.memory_space<vmem>>) target(%dma_start3A_64 : memref<10240x64xbf16, #tpu.memory_space<vmem_shared>>) offsets(%dma_start3A_61 : memref<128xi32, #tpu.memory_space<vmem>>) semaphore(%arg12 : memref<!tpu.dma_semaphore, #tpu.memory_space<semaphore_mem>>) {add = true}
      %add3A_65 = arith.constant 0 : i32
      %add3A_66 = arith.addi %add3A_48, %add3A_65 : i32
      %dma_wait3A_67 = arith.constant 0 : i32
      %dma_wait3A_68 = tpu.memref_slice %arg7[%add3A_66, %dma_wait3A_67] : memref<164x128xi32, #tpu.memory_space<vmem>> -> memref<1x128xi32, #tpu.memory_space<vmem>>
      %dma_wait3A_69 = tpu.memref_squeeze %dma_wait3A_68 : memref<1x128xi32, #tpu.memory_space<vmem>> -> memref<128xi32, #tpu.memory_space<vmem>>
      %dma_wait3A_70 = arith.constant 0 : i32
      %dma_wait3A_71 = arith.constant 0 : i32
      %dma_wait3A_72 = tpu.memref_slice %arg14[%dma_wait3A_70, %dma_wait3A_71] : memref<10240x64xbf16, #tpu.memory_space<vmem_shared>> -> memref<10240x64xbf16, #tpu.memory_space<vmem_shared>>
      tpu.wait_indirect_dma semaphore(%arg12 : memref<!tpu.dma_semaphore, #tpu.memory_space<semaphore_mem>>) src(%arg8 : memref<128x64xbf16, #tpu.memory_space<vmem>>) dst(%dma_wait3A_72 : memref<10240x64xbf16, #tpu.memory_space<vmem_shared>>)
      %add3A_73 = arith.constant 2 : i32
      %add3A_74 = arith.addi %add3A_48, %add3A_73 : i32
      %add3A_75 = arith.constant 0 : i32
      %add3A_76 = arith.addi %add3A_74, %add3A_75 : i32
      %dma_start3A_77 = arith.constant 0 : i32
      %dma_start3A_78 = tpu.memref_slice %arg6[%add3A_76, %dma_start3A_77] : memref<164x128xi32, #tpu.memory_space<vmem>> -> memref<1x128xi32, #tpu.memory_space<vmem>>
      %dma_start3A_79 = tpu.memref_squeeze %dma_start3A_78 : memref<1x128xi32, #tpu.memory_space<vmem>> -> memref<128xi32, #tpu.memory_space<vmem>>
      %dma_start3A_80 = arith.constant 0 : i32
      %dma_start3A_81 = arith.constant 0 : i32
      %dma_start3A_82 = tpu.memref_slice %arg2[%dma_start3A_80, %dma_start3A_81] : memref<20480x64xbf16, #tpu.memory_space<hbm>> -> memref<20480x64xbf16, #tpu.memory_space<hbm>>
      tpu.enqueue_indirect_dma source(%dma_start3A_82 : memref<20480x64xbf16, #tpu.memory_space<hbm>>) target(%arg8 : memref<128x64xbf16, #tpu.memory_space<vmem>>) offsets(%dma_start3A_79 : memref<128xi32, #tpu.memory_space<vmem>>) semaphore(%arg10 : memref<!tpu.dma_semaphore, #tpu.memory_space<semaphore_mem>>)
      %add3A_83 = arith.constant 1 : i32
      %add3A_84 = arith.addi %add3A_48, %add3A_83 : i32
      %dma_wait3A_85 = arith.constant 0 : i32
      %dma_wait3A_86 = tpu.memref_slice %arg6[%add3A_84, %dma_wait3A_85] : memref<164x128xi32, #tpu.memory_space<vmem>> -> memref<1x128xi32, #tpu.memory_space<vmem>>
      %dma_wait3A_87 = tpu.memref_squeeze %dma_wait3A_86 : memref<1x128xi32, #tpu.memory_space<vmem>> -> memref<128xi32, #tpu.memory_space<vmem>>
      %dma_wait3A_88 = arith.constant 0 : i32
      %dma_wait3A_89 = arith.constant 0 : i32
      %dma_wait3A_90 = tpu.memref_slice %arg2[%dma_wait3A_88, %dma_wait3A_89] : memref<20480x64xbf16, #tpu.memory_space<hbm>> -> memref<20480x64xbf16, #tpu.memory_space<hbm>>
      tpu.wait_indirect_dma semaphore(%arg11 : memref<!tpu.dma_semaphore, #tpu.memory_space<semaphore_mem>>) src(%dma_wait3A_90 : memref<20480x64xbf16, #tpu.memory_space<hbm>>) dst(%arg9 : memref<128x64xbf16, #tpu.memory_space<vmem>>)
      %add3A_91 = arith.constant 1 : i32
      %add3A_92 = arith.addi %add3A_48, %add3A_91 : i32
      %dma_start3A_93 = arith.constant 0 : i32
      %dma_start3A_94 = tpu.memref_slice %arg7[%add3A_92, %dma_start3A_93] : memref<164x128xi32, #tpu.memory_space<vmem>> -> memref<1x128xi32, #tpu.memory_space<vmem>>
      %dma_start3A_95 = tpu.memref_squeeze %dma_start3A_94 : memref<1x128xi32, #tpu.memory_space<vmem>> -> memref<128xi32, #tpu.memory_space<vmem>>
      %dma_start3A_96 = arith.constant 0 : i32
      %dma_start3A_97 = arith.constant 0 : i32
      %dma_start3A_98 = tpu.memref_slice %arg14[%dma_start3A_96, %dma_start3A_97] : memref<10240x64xbf16, #tpu.memory_space<vmem_shared>> -> memref<10240x64xbf16, #tpu.memory_space<vmem_shared>>
      tpu.enqueue_indirect_dma source(%arg9 : memref<128x64xbf16, #tpu.memory_space<vmem>>) target(%dma_start3A_98 : memref<10240x64xbf16, #tpu.memory_space<vmem_shared>>) offsets(%dma_start3A_95 : memref<128xi32, #tpu.memory_space<vmem>>) semaphore(%arg13 : memref<!tpu.dma_semaphore, #tpu.memory_space<semaphore_mem>>) {add = true}
      %add3A_99 = arith.constant 1 : i32
      %add3A_100 = arith.addi %add3A_48, %add3A_99 : i32
      %dma_wait3A_101 = arith.constant 0 : i32
      %dma_wait3A_102 = tpu.memref_slice %arg7[%add3A_100, %dma_wait3A_101] : memref<164x128xi32, #tpu.memory_space<vmem>> -> memref<1x128xi32, #tpu.memory_space<vmem>>
      %dma_wait3A_103 = tpu.memref_squeeze %dma_wait3A_102 : memref<1x128xi32, #tpu.memory_space<vmem>> -> memref<128xi32, #tpu.memory_space<vmem>>
      %dma_wait3A_104 = arith.constant 0 : i32
      %dma_wait3A_105 = arith.constant 0 : i32
      %dma_wait3A_106 = tpu.memref_slice %arg14[%dma_wait3A_104, %dma_wait3A_105] : memref<10240x64xbf16, #tpu.memory_space<vmem_shared>> -> memref<10240x64xbf16, #tpu.memory_space<vmem_shared>>
      tpu.wait_indirect_dma semaphore(%arg13 : memref<!tpu.dma_semaphore, #tpu.memory_space<semaphore_mem>>) src(%arg9 : memref<128x64xbf16, #tpu.memory_space<vmem>>) dst(%dma_wait3A_106 : memref<10240x64xbf16, #tpu.memory_space<vmem_shared>>)
      %add3A_107 = arith.constant 2 : i32
      %add3A_108 = arith.addi %add3A_48, %add3A_107 : i32
      %add3A_109 = arith.constant 1 : i32
      %add3A_110 = arith.addi %add3A_108, %add3A_109 : i32
      %dma_start3A_111 = arith.constant 0 : i32
      %dma_start3A_112 = tpu.memref_slice %arg6[%add3A_110, %dma_start3A_111] : memref<164x128xi32, #tpu.memory_space<vmem>> -> memref<1x128xi32, #tpu.memory_space<vmem>>
      %dma_start3A_113 = tpu.memref_squeeze %dma_start3A_112 : memref<1x128xi32, #tpu.memory_space<vmem>> -> memref<128xi32, #tpu.memory_space<vmem>>
      %dma_start3A_114 = arith.constant 0 : i32
      %dma_start3A_115 = arith.constant 0 : i32
      %dma_start3A_116 = tpu.memref_slice %arg2[%dma_start3A_114, %dma_start3A_115] : memref<20480x64xbf16, #tpu.memory_space<hbm>> -> memref<20480x64xbf16, #tpu.memory_space<hbm>>
      tpu.enqueue_indirect_dma source(%dma_start3A_116 : memref<20480x64xbf16, #tpu.memory_space<hbm>>) target(%arg9 : memref<128x64xbf16, #tpu.memory_space<vmem>>) offsets(%dma_start3A_113 : memref<128xi32, #tpu.memory_space<vmem>>) semaphore(%arg11 : memref<!tpu.dma_semaphore, #tpu.memory_space<semaphore_mem>>)
    }
    %scan3A_26 = arith.constant 81 : i32
    %dma_wait3A = arith.constant 162 : i32
    %dma_wait3A_27 = arith.constant 0 : i32
    %dma_wait3A_28 = tpu.memref_slice %arg6[%dma_wait3A, %dma_wait3A_27] : memref<164x128xi32, #tpu.memory_space<vmem>> -> memref<1x128xi32, #tpu.memory_space<vmem>>
    %dma_wait3A_29 = tpu.memref_squeeze %dma_wait3A_28 : memref<1x128xi32, #tpu.memory_space<vmem>> -> memref<128xi32, #tpu.memory_space<vmem>>
    %dma_wait3A_30 = arith.constant 0 : i32
    %dma_wait3A_31 = arith.constant 0 : i32
    %dma_wait3A_32 = tpu.memref_slice %arg2[%dma_wait3A_30, %dma_wait3A_31] : memref<20480x64xbf16, #tpu.memory_space<hbm>> -> memref<20480x64xbf16, #tpu.memory_space<hbm>>
    tpu.wait_indirect_dma semaphore(%arg10 : memref<!tpu.dma_semaphore, #tpu.memory_space<semaphore_mem>>) src(%dma_wait3A_32 : memref<20480x64xbf16, #tpu.memory_space<hbm>>) dst(%arg8 : memref<128x64xbf16, #tpu.memory_space<vmem>>)
    %dma_wait3A_33 = arith.constant 163 : i32
    %dma_wait3A_34 = arith.constant 0 : i32
    %dma_wait3A_35 = tpu.memref_slice %arg6[%dma_wait3A_33, %dma_wait3A_34] : memref<164x128xi32, #tpu.memory_space<vmem>> -> memref<1x128xi32, #tpu.memory_space<vmem>>
    %dma_wait3A_36 = tpu.memref_squeeze %dma_wait3A_35 : memref<1x128xi32, #tpu.memory_space<vmem>> -> memref<128xi32, #tpu.memory_space<vmem>>
    %dma_wait3A_37 = arith.constant 0 : i32
    %dma_wait3A_38 = arith.constant 0 : i32
    %dma_wait3A_39 = tpu.memref_slice %arg2[%dma_wait3A_37, %dma_wait3A_38] : memref<20480x64xbf16, #tpu.memory_space<hbm>> -> memref<20480x64xbf16, #tpu.memory_space<hbm>>
    tpu.wait_indirect_dma semaphore(%arg11 : memref<!tpu.dma_semaphore, #tpu.memory_space<semaphore_mem>>) src(%dma_wait3A_39 : memref<20480x64xbf16, #tpu.memory_space<hbm>>) dst(%arg9 : memref<128x64xbf16, #tpu.memory_space<vmem>>)
    %barrier3A_40 = arith.constant 0 : index
    tpu.barrier barrier_id(%barrier3A_40)
    %scan3A_41 = arith.constant 0 : i32
    %scan3A_42 = arith.constant 5 : i32
    %scan3A_43 = arith.addi %scan3A_41, %scan3A_42 : i32
    %scan3A_44 = arith.constant 1 : i32
    scf.for %scan3A_46 = %scan3A_41 to %scan3A_43 step %scan3A_44  : i32 {
      %mul3A = arith.constant 1 : i32
      %mul3A_47 = arith.muli %scan3A_46, %mul3A : i32
      %add3A = arith.constant 0 : i32
      %add3A_48 = arith.addi %add3A, %mul3A_47 : i32
      %mul3A_49 = arith.constant 640 : i32
      %mul3A_50 = arith.muli %arg1, %mul3A_49 : i32
      %mul3A_51 = arith.constant 128 : i32
      %mul3A_52 = arith.muli %add3A_48, %mul3A_51 : i32
      %add3A_53 = arith.addi %mul3A_50, %mul3A_52 : i32
      "tpu.region"() ({
        %run_scoped3A = tpu.sem_alloc : memref<!tpu.dma_semaphore, #tpu.memory_space<semaphore_mem>>
        %dma_start3A_54 = arith.constant 0 : i32
        %dma_start3A_55 = tpu.memref_slice %arg5[%arg0, %add3A_53, %dma_start3A_54] : memref<2x10240x64xbf16, #tpu.memory_space<hbm>> -> memref<1x128x64xbf16, #tpu.memory_space<hbm>>
        %dma_start3A_56 = tpu.memref_squeeze %dma_start3A_55 : memref<1x128x64xbf16, #tpu.memory_space<hbm>> -> memref<128x64xbf16, #tpu.memory_space<hbm>>
        %dma_start3A_57 = arith.constant 0 : i32
        %dma_start3A_58 = tpu.memref_slice %arg14[%add3A_53, %dma_start3A_57] : memref<10240x64xbf16, #tpu.memory_space<vmem_shared>> -> memref<128x64xbf16, #tpu.memory_space<vmem_shared>>
        tpu.enqueue_dma source(%dma_start3A_58 : memref<128x64xbf16, #tpu.memory_space<vmem_shared>>) target(%dma_start3A_56 : memref<128x64xbf16, #tpu.memory_space<hbm>>) target_semaphore(%run_scoped3A : memref<!tpu.dma_semaphore, #tpu.memory_space<semaphore_mem>>)
        %dma_wait3A_59 = arith.constant 0 : i32
        %dma_wait3A_60 = tpu.memref_slice %arg5[%arg0, %add3A_53, %dma_wait3A_59] : memref<2x10240x64xbf16, #tpu.memory_space<hbm>> -> memref<1x128x64xbf16, #tpu.memory_space<hbm>>
        %dma_wait3A_61 = tpu.memref_squeeze %dma_wait3A_60 : memref<1x128x64xbf16, #tpu.memory_space<hbm>> -> memref<128x64xbf16, #tpu.memory_space<hbm>>
        %dma_wait3A_62 = arith.constant 0 : i32
        %dma_wait3A_63 = tpu.memref_slice %arg14[%add3A_53, %dma_wait3A_62] : memref<10240x64xbf16, #tpu.memory_space<vmem_shared>> -> memref<128x64xbf16, #tpu.memory_space<vmem_shared>>
        tpu.wait_dma2 semaphore(%run_scoped3A : memref<!tpu.dma_semaphore, #tpu.memory_space<semaphore_mem>>) src(%dma_wait3A_63 : memref<128x64xbf16, #tpu.memory_space<vmem_shared>>) dst(%dma_wait3A_61 : memref<128x64xbf16, #tpu.memory_space<hbm>>)
        tpu.yield
      }) : () -> ()
    }
    %scan3A_45 = arith.constant 5 : i32
    return
  }
}

module attributes {stable_mosaic.version = 14 : i64} {
  func.func @_tc_scale_body(%arg0: i32, %arg1: memref<1024x128xf32, #tpu.memory_space<vmem>>, %arg2: memref<128x64xf32, #tpu.memory_space<vmem>>, %arg3: memref<1024x1xf32, #tpu.memory_space<vmem>>, %arg4: memref<1024x64xbf16, #tpu.memory_space<vmem>>) attributes {dimension_semantics = [#tpu.dimension_semantics<arbitrary>], iteration_bounds = array<i64: 20>, scalar_prefetch = 0 : i64, scratch_operands = 0 : i64, tpu.core_type = #tpu.core_type<tc>, window_params = [{transform_indices = @transform_0, window_bounds = array<i64: 1024, 128>}, {pipeline_mode = #tpu.pipeline_mode<synchronous>, transform_indices = @transform_1, window_bounds = array<i64: 128, 64>}, {transform_indices = @transform_2, window_bounds = array<i64: 1024, 1>}, {transform_indices = @transform_3, window_bounds = array<i64: 1024, 64>}]} {
    %get3A = arith.constant 0 : index
    %get3A_0 = arith.constant 0 : index
    %get3A_1 = vector.load %arg1[%get3A, %get3A_0] : memref<1024x128xf32, #tpu.memory_space<vmem>>, vector<1024x128xf32>
    %get3A_2 = arith.constant 0 : index
    %get3A_3 = arith.constant 0 : index
    %get3A_4 = vector.load %arg2[%get3A_2, %get3A_3] : memref<128x64xf32, #tpu.memory_space<vmem>>, vector<128x64xf32>
    %dot_general3A = arith.constant dense<0.000000e+00> : vector<1024x64xf32>
    %dot_general3A_5 = tpu.matmul %get3A_1, %get3A_4, %dot_general3A {dimension_numbers = #tpu.dot_dimension_numbers<[1], [0], [0], [1], [0, 0, 1, 1], [], []>, transpose_lhs_hint = false} : vector<1024x128xf32>, vector<128x64xf32>, vector<1024x64xf32> -> vector<1024x64xf32>
    %get3A_6 = arith.constant 0 : index
    %get3A_7 = arith.constant 0 : index
    %get3A_8 = vector.load %arg3[%get3A_6, %get3A_7] : memref<1024x1xf32, #tpu.memory_space<vmem>>, vector<1024x1xf32>
    %max3A = arith.constant 1.000000e+00 : f32
    %max3A_9 = vector.broadcast %max3A : f32 to vector<1024x1xf32>
    %max3A_10 = arith.maximumf %get3A_8, %max3A_9 : vector<1024x1xf32>
    %rsqrt3A = math.rsqrt %max3A_10 : vector<1024x1xf32>
    %mul3A = vector.broadcast %rsqrt3A : vector<1024x1xf32> to vector<1024x64xf32>
    %mul3A_11 = arith.mulf %dot_general3A_5, %mul3A : vector<1024x64xf32>
    %convert_element_type3A = arith.truncf %mul3A_11 : vector<1024x64xf32> to vector<1024x64xbf16>
    %swap3A = arith.constant 0 : index
    %swap3A_12 = arith.constant 0 : index
    %swap3A_13 = vector.load %arg4[%swap3A, %swap3A_12] : memref<1024x64xbf16, #tpu.memory_space<vmem>>, vector<1024x64xbf16>
    tpu.vector_store %arg4[%swap3A, %swap3A_12], %convert_element_type3A {strides = array<i32>} : memref<1024x64xbf16, #tpu.memory_space<vmem>>, vector<1024x64xbf16>,
    return
  }
  func.func @transform_0(%arg0: i32) -> (i32, i32) {
    %c0_i32 = arith.constant 0 : i32
    %c0_i32_0 = arith.constant 0 : i32
    return %arg0, %c0_i32 : i32, i32
  }
  func.func @transform_1(%arg0: i32) -> (i32, i32) {
    %c0_i32 = arith.constant 0 : i32
    %c0_i32_0 = arith.constant 0 : i32
    %c0_i32_1 = arith.constant 0 : i32
    return %c0_i32, %c0_i32_0 : i32, i32
  }
  func.func @transform_2(%arg0: i32) -> (i32, i32) {
    %c0_i32 = arith.constant 0 : i32
    %c0_i32_0 = arith.constant 0 : i32
    return %arg0, %c0_i32 : i32, i32
  }
  func.func @transform_3(%arg0: i32) -> (i32, i32) {
    %c0_i32 = arith.constant 0 : i32
    %c0_i32_0 = arith.constant 0 : i32
    return %arg0, %c0_i32 : i32, i32
  }
}

module attributes {stable_mosaic.version = 14 : i64} {
  func.func @_tc_head_body(%arg0: memref<2x10240x64xbf16, #tpu.memory_space<vmem>>, %arg1: memref<2x10240x1xf32, #tpu.memory_space<vmem>>, %arg2: memref<2x1x10240xi32, #tpu.memory_space<vmem>>, %arg3: memref<1x64xf32, #tpu.memory_space<vmem>>, %arg4: memref<128x64xf32, #tpu.memory_space<vmem>>, %arg5: memref<1x64xf32, #tpu.memory_space<vmem>>, %arg6: memref<64x32xf32, #tpu.memory_space<vmem>>, %arg7: memref<1x32xf32, #tpu.memory_space<vmem>>, %arg8: memref<32x16xf32, #tpu.memory_space<vmem>>, %arg9: memref<1x16xf32, #tpu.memory_space<vmem>>, %arg10: memref<16x1xf32, #tpu.memory_space<vmem>>, %arg11: memref<1x1xf32, #tpu.memory_space<vmem>>, %arg12: memref<64x1xf32, #tpu.memory_space<vmem>>) attributes {dimension_semantics = [], scalar_prefetch = 0 : i64, scratch_operands = 0 : i64, tpu.core_type = #tpu.core_type<tc>} {
    %get3A = arith.constant 0 : index
    %get3A_0 = arith.constant 0 : index
    %get3A_1 = arith.constant 0 : index
    %get3A_2 = vector.load %arg0[%get3A, %get3A_0, %get3A_1] : memref<2x10240x64xbf16, #tpu.memory_space<vmem>>, vector<1x10240x64xbf16>
    %get3A_3 = vector.shape_cast %get3A_2 : vector<1x10240x64xbf16> to vector<10240x64xbf16>
    %convert_element_type3A = arith.extf %get3A_3 : vector<10240x64xbf16> to vector<10240x64xf32>
    %get3A_4 = arith.constant 0 : index
    %get3A_5 = arith.constant 0 : index
    %get3A_6 = arith.constant 0 : index
    %get3A_7 = vector.load %arg1[%get3A_4, %get3A_5, %get3A_6] : memref<2x10240x1xf32, #tpu.memory_space<vmem>>, vector<1x10240x1xf32>
    %get3A_8 = vector.shape_cast %get3A_7 : vector<1x10240x1xf32> to vector<10240x1xf32>
    %max3A = arith.constant 1.000000e+00 : f32
    %max3A_9 = vector.broadcast %max3A : f32 to vector<10240x1xf32>
    %max3A_10 = arith.maximumf %get3A_8, %max3A_9 : vector<10240x1xf32>
    %rsqrt3A = math.rsqrt %max3A_10 : vector<10240x1xf32>
    %mul3A = vector.broadcast %rsqrt3A : vector<10240x1xf32> to vector<10240x64xf32>
    %mul3A_11 = arith.mulf %convert_element_type3A, %mul3A : vector<10240x64xf32>
    %get3A_12 = arith.constant 0 : index
    %get3A_13 = arith.constant 0 : index
    %get3A_14 = vector.load %arg3[%get3A_12, %get3A_13] : memref<1x64xf32, #tpu.memory_space<vmem>>, vector<1x64xf32>
    %add3A = vector.broadcast %get3A_14 : vector<1x64xf32> to vector<10240x64xf32>
    %add3A_15 = arith.addf %mul3A_11, %add3A : vector<10240x64xf32>
    %max3A_16 = arith.constant 0.000000e+00 : f32
    %max3A_17 = vector.broadcast %max3A_16 : f32 to vector<10240x64xf32>
    %max3A_18 = arith.maximumf %add3A_15, %max3A_17 : vector<10240x64xf32>
    %get3A_19 = arith.constant 0 : index
    %get3A_20 = arith.constant 0 : index
    %get3A_21 = arith.constant 0 : index
    %get3A_22 = vector.load %arg2[%get3A_19, %get3A_20, %get3A_21] : memref<2x1x10240xi32, #tpu.memory_space<vmem>>, vector<1x1x10240xi32>
    %get3A_23 = vector.shape_cast %get3A_22 : vector<1x1x10240xi32> to vector<1x10240xi32>
    %iota3A = tpu.iota {dimensions = array<i32: 0>} : vector<64x10240xi32>
    %eq3A = vector.broadcast %get3A_23 : vector<1x10240xi32> to vector<64x10240xi32>
    %eq3A_24 = arith.cmpi eq, %iota3A, %eq3A : vector<64x10240xi32>
    %convert_element_type3A_25 = arith.extui %eq3A_24 : vector<64x10240xi1> to vector<64x10240xi32>
    %convert_element_type3A_26 = arith.sitofp %convert_element_type3A_25 : vector<64x10240xi32> to vector<64x10240xf32>
    %dot_general3A = arith.constant dense<0.000000e+00> : vector<64x64xf32>
    %dot_general3A_27 = tpu.matmul %convert_element_type3A_26, %max3A_18, %dot_general3A {dimension_numbers = #tpu.dot_dimension_numbers<[1], [0], [0], [1], [0, 0, 1, 1], [], []>, transpose_lhs_hint = false} : vector<64x10240xf32>, vector<10240x64xf32>, vector<64x64xf32> -> vector<64x64xf32>
    %reduce_sum3A = arith.constant dense<0.000000e+00> : vector<64xf32>
    %reduce_sum3A_28 = vector.multi_reduction <add>, %convert_element_type3A_26, %reduce_sum3A [1] : vector<64x10240xf32> to vector<64xf32>
    %broadcast_in_dim3A = vector.shape_cast %reduce_sum3A_28 : vector<64xf32> to vector<64x1xf32>
    %max3A_29 = arith.constant 1.000000e+00 : f32
    %max3A_30 = vector.broadcast %max3A_29 : f32 to vector<64x1xf32>
    %max3A_31 = arith.maximumf %broadcast_in_dim3A, %max3A_30 : vector<64x1xf32>
    %div3A = vector.broadcast %max3A_31 : vector<64x1xf32> to vector<64x64xf32>
    %div3A_32 = arith.divf %dot_general3A_27, %div3A : vector<64x64xf32>
    %get3A_33 = arith.constant 1 : index
    %get3A_34 = arith.constant 0 : index
    %get3A_35 = arith.constant 0 : index
    %get3A_36 = vector.load %arg0[%get3A_33, %get3A_34, %get3A_35] : memref<2x10240x64xbf16, #tpu.memory_space<vmem>>, vector<1x10240x64xbf16>
    %get3A_37 = vector.shape_cast %get3A_36 : vector<1x10240x64xbf16> to vector<10240x64xbf16>
    %convert_element_type3A_38 = arith.extf %get3A_37 : vector<10240x64xbf16> to vector<10240x64xf32>
    %get3A_39 = arith.constant 1 : index
    %get3A_40 = arith.constant 0 : index
    %get3A_41 = arith.constant 0 : index
    %get3A_42 = vector.load %arg1[%get3A_39, %get3A_40, %get3A_41] : memref<2x10240x1xf32, #tpu.memory_space<vmem>>, vector<1x10240x1xf32>
    %get3A_43 = vector.shape_cast %get3A_42 : vector<1x10240x1xf32> to vector<10240x1xf32>
    %max3A_44 = arith.constant 1.000000e+00 : f32
    %max3A_45 = vector.broadcast %max3A_44 : f32 to vector<10240x1xf32>
    %max3A_46 = arith.maximumf %get3A_43, %max3A_45 : vector<10240x1xf32>
    %rsqrt3A_47 = math.rsqrt %max3A_46 : vector<10240x1xf32>
    %mul3A_48 = vector.broadcast %rsqrt3A_47 : vector<10240x1xf32> to vector<10240x64xf32>
    %mul3A_49 = arith.mulf %convert_element_type3A_38, %mul3A_48 : vector<10240x64xf32>
    %get3A_50 = arith.constant 0 : index
    %get3A_51 = arith.constant 0 : index
    %get3A_52 = vector.load %arg3[%get3A_50, %get3A_51] : memref<1x64xf32, #tpu.memory_space<vmem>>, vector<1x64xf32>
    %add3A_53 = vector.broadcast %get3A_52 : vector<1x64xf32> to vector<10240x64xf32>
    %add3A_54 = arith.addf %mul3A_49, %add3A_53 : vector<10240x64xf32>
    %max3A_55 = arith.constant 0.000000e+00 : f32
    %max3A_56 = vector.broadcast %max3A_55 : f32 to vector<10240x64xf32>
    %max3A_57 = arith.maximumf %add3A_54, %max3A_56 : vector<10240x64xf32>
    %get3A_58 = arith.constant 1 : index
    %get3A_59 = arith.constant 0 : index
    %get3A_60 = arith.constant 0 : index
    %get3A_61 = vector.load %arg2[%get3A_58, %get3A_59, %get3A_60] : memref<2x1x10240xi32, #tpu.memory_space<vmem>>, vector<1x1x10240xi32>
    %get3A_62 = vector.shape_cast %get3A_61 : vector<1x1x10240xi32> to vector<1x10240xi32>
    %iota3A_63 = tpu.iota {dimensions = array<i32: 0>} : vector<64x10240xi32>
    %eq3A_64 = vector.broadcast %get3A_62 : vector<1x10240xi32> to vector<64x10240xi32>
    %eq3A_65 = arith.cmpi eq, %iota3A_63, %eq3A_64 : vector<64x10240xi32>
    %convert_element_type3A_66 = arith.extui %eq3A_65 : vector<64x10240xi1> to vector<64x10240xi32>
    %convert_element_type3A_67 = arith.sitofp %convert_element_type3A_66 : vector<64x10240xi32> to vector<64x10240xf32>
    %dot_general3A_68 = arith.constant dense<0.000000e+00> : vector<64x64xf32>
    %dot_general3A_69 = tpu.matmul %convert_element_type3A_67, %max3A_57, %dot_general3A_68 {dimension_numbers = #tpu.dot_dimension_numbers<[1], [0], [0], [1], [0, 0, 1, 1], [], []>, transpose_lhs_hint = false} : vector<64x10240xf32>, vector<10240x64xf32>, vector<64x64xf32> -> vector<64x64xf32>
    %reduce_sum3A_70 = arith.constant dense<0.000000e+00> : vector<64xf32>
    %reduce_sum3A_71 = vector.multi_reduction <add>, %convert_element_type3A_67, %reduce_sum3A_70 [1] : vector<64x10240xf32> to vector<64xf32>
    %broadcast_in_dim3A_72 = vector.shape_cast %reduce_sum3A_71 : vector<64xf32> to vector<64x1xf32>
    %max3A_73 = arith.constant 1.000000e+00 : f32
    %max3A_74 = vector.broadcast %max3A_73 : f32 to vector<64x1xf32>
    %max3A_75 = arith.maximumf %broadcast_in_dim3A_72, %max3A_74 : vector<64x1xf32>
    %div3A_76 = vector.broadcast %max3A_75 : vector<64x1xf32> to vector<64x64xf32>
    %div3A_77 = arith.divf %dot_general3A_69, %div3A_76 : vector<64x64xf32>
    %concatenate3A = tpu.concatenate %div3A_32, %div3A_77 in 1 : vector<64x64xf32>, vector<64x64xf32> -> vector<64x128xf32>
    %get3A_78 = arith.constant 0 : index
    %get3A_79 = arith.constant 0 : index
    %get3A_80 = vector.load %arg4[%get3A_78, %get3A_79] : memref<128x64xf32, #tpu.memory_space<vmem>>, vector<128x64xf32>
    %dot_general3A_81 = arith.constant dense<0.000000e+00> : vector<64x64xf32>
    %dot_general3A_82 = tpu.matmul %concatenate3A, %get3A_80, %dot_general3A_81 {dimension_numbers = #tpu.dot_dimension_numbers<[1], [0], [0], [1], [0, 0, 1, 1], [], []>, transpose_lhs_hint = false} : vector<64x128xf32>, vector<128x64xf32>, vector<64x64xf32> -> vector<64x64xf32>
    %get3A_83 = arith.constant 0 : index
    %get3A_84 = arith.constant 0 : index
    %get3A_85 = vector.load %arg5[%get3A_83, %get3A_84] : memref<1x64xf32, #tpu.memory_space<vmem>>, vector<1x64xf32>
    %add3A_86 = vector.broadcast %get3A_85 : vector<1x64xf32> to vector<64x64xf32>
    %add3A_87 = arith.addf %dot_general3A_82, %add3A_86 : vector<64x64xf32>
    %max3A_88 = arith.constant 0.000000e+00 : f32
    %max3A_89 = vector.broadcast %max3A_88 : f32 to vector<64x64xf32>
    %max3A_90 = arith.maximumf %add3A_87, %max3A_89 : vector<64x64xf32>
    %get3A_91 = arith.constant 0 : index
    %get3A_92 = arith.constant 0 : index
    %get3A_93 = vector.load %arg6[%get3A_91, %get3A_92] : memref<64x32xf32, #tpu.memory_space<vmem>>, vector<64x32xf32>
    %dot_general3A_94 = arith.constant dense<0.000000e+00> : vector<64x32xf32>
    %dot_general3A_95 = tpu.matmul %max3A_90, %get3A_93, %dot_general3A_94 {dimension_numbers = #tpu.dot_dimension_numbers<[1], [0], [0], [1], [0, 0, 1, 1], [], []>, transpose_lhs_hint = false} : vector<64x64xf32>, vector<64x32xf32>, vector<64x32xf32> -> vector<64x32xf32>
    %get3A_96 = arith.constant 0 : index
    %get3A_97 = arith.constant 0 : index
    %get3A_98 = vector.load %arg7[%get3A_96, %get3A_97] : memref<1x32xf32, #tpu.memory_space<vmem>>, vector<1x32xf32>
    %add3A_99 = vector.broadcast %get3A_98 : vector<1x32xf32> to vector<64x32xf32>
    %add3A_100 = arith.addf %dot_general3A_95, %add3A_99 : vector<64x32xf32>
    %max3A_101 = arith.constant 0.000000e+00 : f32
    %max3A_102 = vector.broadcast %max3A_101 : f32 to vector<64x32xf32>
    %max3A_103 = arith.maximumf %add3A_100, %max3A_102 : vector<64x32xf32>
    %get3A_104 = arith.constant 0 : index
    %get3A_105 = arith.constant 0 : index
    %get3A_106 = vector.load %arg8[%get3A_104, %get3A_105] : memref<32x16xf32, #tpu.memory_space<vmem>>, vector<32x16xf32>
    %dot_general3A_107 = arith.constant dense<0.000000e+00> : vector<64x16xf32>
    %dot_general3A_108 = tpu.matmul %max3A_103, %get3A_106, %dot_general3A_107 {dimension_numbers = #tpu.dot_dimension_numbers<[1], [0], [0], [1], [0, 0, 1, 1], [], []>, transpose_lhs_hint = false} : vector<64x32xf32>, vector<32x16xf32>, vector<64x16xf32> -> vector<64x16xf32>
    %get3A_109 = arith.constant 0 : index
    %get3A_110 = arith.constant 0 : index
    %get3A_111 = vector.load %arg9[%get3A_109, %get3A_110] : memref<1x16xf32, #tpu.memory_space<vmem>>, vector<1x16xf32>
    %add3A_112 = vector.broadcast %get3A_111 : vector<1x16xf32> to vector<64x16xf32>
    %add3A_113 = arith.addf %dot_general3A_108, %add3A_112 : vector<64x16xf32>
    %max3A_114 = arith.constant 0.000000e+00 : f32
    %max3A_115 = vector.broadcast %max3A_114 : f32 to vector<64x16xf32>
    %max3A_116 = arith.maximumf %add3A_113, %max3A_115 : vector<64x16xf32>
    %get3A_117 = arith.constant 0 : index
    %get3A_118 = arith.constant 0 : index
    %get3A_119 = vector.load %arg10[%get3A_117, %get3A_118] : memref<16x1xf32, #tpu.memory_space<vmem>>, vector<16x1xf32>
    %dot_general3A_120 = arith.constant dense<0.000000e+00> : vector<64x1xf32>
    %dot_general3A_121 = tpu.matmul %max3A_116, %get3A_119, %dot_general3A_120 {dimension_numbers = #tpu.dot_dimension_numbers<[1], [0], [0], [1], [0, 0, 1, 1], [], []>, transpose_lhs_hint = false} : vector<64x16xf32>, vector<16x1xf32>, vector<64x1xf32> -> vector<64x1xf32>
    %get3A_122 = arith.constant 0 : index
    %get3A_123 = arith.constant 0 : index
    %get3A_124 = vector.load %arg11[%get3A_122, %get3A_123] : memref<1x1xf32, #tpu.memory_space<vmem>>, vector<1x1xf32>
    %add3A_125 = vector.broadcast %get3A_124 : vector<1x1xf32> to vector<64x1xf32>
    %add3A_126 = arith.addf %dot_general3A_121, %add3A_125 : vector<64x1xf32>
    %neg3A = arith.constant 0.000000e+00 : f32
    %neg3A_127 = vector.broadcast %neg3A : f32 to vector<64x1xf32>
    %neg3A_128 = arith.subf %neg3A_127, %add3A_126 : vector<64x1xf32>
    %exp3A = math.exp %neg3A_128 : vector<64x1xf32>
    %add3A_129 = arith.constant 1.000000e+00 : f32
    %add3A_130 = vector.broadcast %add3A_129 : f32 to vector<64x1xf32>
    %add3A_131 = arith.addf %add3A_130, %exp3A : vector<64x1xf32>
    %div3A_132 = arith.constant 1.000000e+00 : f32
    %div3A_133 = vector.broadcast %div3A_132 : f32 to vector<64x1xf32>
    %div3A_134 = arith.divf %div3A_133, %add3A_131 : vector<64x1xf32>
    %swap3A = arith.constant 0 : index
    %swap3A_135 = arith.constant 0 : index
    %swap3A_136 = vector.load %arg12[%swap3A, %swap3A_135] : memref<64x1xf32, #tpu.memory_space<vmem>>, vector<64x1xf32>
    tpu.vector_store %arg12[%swap3A, %swap3A_135], %div3A_134 {strides = array<i32>} : memref<64x1xf32, #tpu.memory_space<vmem>>, vector<64x1xf32>,
    return
  }
}

</mosaic_0001>

<sc_bundles>
// kernel: kernel.6.cloned.1.call-start
scs
__scs_entry_jumppad:
0x0: {  	(pc) =	sbr.rel $0x88, $3  }
0x1: {  	(tag) =	ssettag $0x0;
	lr =	simm.s32 $0x1  }
0x2: {  	[smem:$0x3F91] =	sst lr;
	_ =	strace $0xD0000000  }
0x3: {  	_ = 	snop  }
0x4: {  	_ = 	snop  }
0x5: {  	_ = 	snop  }
0x6: {  	_ = 	snop  }
0x7: {  	_ = 	snop  }
__scs_overlays_trampoline_lowered:
0x8: {  	[smem:$0x3FA0] =	sst s0  }
0x9: {  	[smem:$0x3FA1] =	sst s1  }
0xa: {  	[smem:$0x3FA2] =	sst s2  }
0xb: {  	[smem:$0x3FA3] =	sst s3  }
0xc: {  	[smem:$0x3FA4] =	sst s4  }
0xd: {  	[smem:$0x3FA5] =	sst s5  }
0xe: {  	[smem:$0x3FA6] =	sst s6  }
0xf: {  	[smem:$0x3FA7] =	sst s7  }
0x10: {  	[smem:$0x3FA8] =	sst s8  }
0x11: {  	[smem:$0x3FA9] =	sst s9;
	s0 =	simm.s32 @!p0 $0x0  }
0x12: {  	s1 =	sld [smem:$0x3F8F];
	s0 =	simm.s32 @p0 $0x1  }
0x13: {  	[smem:$0x3FAA] =	sst s0;
	s0 =	simm.s32 @!p1 $0x0  }
0x14: {  	s2 =	sld [smem:$0x3F8E];
	s0 =	simm.s32 @p1 $0x1  }
0x15: {  	[smem:$0x3FAB] =	sst s0;
	s0 =	simm.s32 @!p2 $0x0  }
0x16: {  	s3 =	sld [smem:$0x3FDB];
	s0 =	simm.s32 @p2 $0x1  }
0x17: {  	s4 =	simm.s32 $0x1BF5;
	[smem:$0x3FAD] =	sst s0  }
0x18: {  	s0 =	sld [smem:$0x3F90];
	_ =	swait.ge [sflag:s4], $0x0  }
0x19: {  	s7 =	sld [smem:$0x3F91]  }
0x1a: {  	s8 =	sadd.s32 $0xFFFFE003, lr  }
0x1b: {  	s9 =	sadd.s32 $0xFFFFFEF7, lr;
	s5 =	simm.s32 $0xFFFFFFFF;
	p2 =	slt.u32 s8, $0xFFFFF086  }
0x1c: {  	p1 =	slt.u32 s9, $0xF7A;
	s5 =	simm.s32 @!p2 $0x0  }
0x1d: {  	s5 =	simm.s32 @p1 $0x1;
	p0 =	seq.s32 s7, s2  }
0x1e: {  	s7 =	smul.u32 @!p0 $0xF7A, s2;
	p2 =	seq.s32 @!p0 s5, $0x0  }
0x1f: {  	s9 =	smul.u32 $0xF7A, s1;
	s8 =	simm.s32 @!p0 $0x1BF5;
	p2 =	por !p2, p0  }
0x20: {  	[sflag:s8] =	ssyncset.s32 @!p0 $0xFFFFF086;
	s6 =	sadd.s32 @!p0 s3, s7;
	s7 =	simm.s32 @!p0 $0x108  }
0x21: {  	s3 =	sadd.s32 s3, s9;
	s6 =	sadd.s32 @!p0 $0x88, s6;
	s7 =	simm.s32 @p2 $0x1082  }
0x22: {  	[simem:s7], [sflag:s8] =	dma.local @!p0 [hbm:s6], $0xF7A  }
0x23: {  	s9 =	sor.u32 $0xD0000000, s2;
	s6 =	simm.s32 $0x108;
	_ =	swait.ge @!p0 [sflag:s8], $0x0  }
0x24: {  	s3 =	sadd.s32 $0x88, s3;
	s6 =	simm.s32 @!p1 $0x1082;
	[sflag:s4] =	ssyncset.s32 $0xFFFFF086  }
0x25: {  	[simem:s6], [sflag:s4] =	dma.local [hbm:s3], $0xF7A  }
0x26: {  	[smem:$0x3F91] =	sst s1;
	(tag) =	ssettag s2;
	_ =	strace s9  }
0x27: {  	s1 =	sld [smem:$0x3FA1]  }
0x28: {  	s2 =	sld [smem:$0x3FA2]  }
0x29: {  	s4 =	sld [smem:$0x3FA4]  }
0x2a: {  	p0 =	seq.s32 s5, $0x0;
	s5 =	sld [smem:$0x3FA5]  }
0x2b: {  	s6 =	sld [smem:$0x3FA6]  }
0x2c: {  	s7 =	sld [smem:$0x3FA7]  }
0x2d: {  	s3 =	simm.s32 $0x108;
	s8 =	sld [smem:$0x3FA8]  }
0x2e: {  	s3 =	simm.s32 @!p0 $0x1082;
	s9 =	sld [smem:$0x3FA9]  }
0x2f: {  	lr =	sadd.s32 s0, s3;
	s0 =	sld [smem:$0x3FA0]  }
0x30: {  	s3 =	sld [smem:$0x3FA3]  }
0x31: {  	[smem:$0x3FAC] =	sst s10  }
0x32: {  	s10 =	sld [smem:$0x3FAA];
	_ =	sdelay $0x3  }
0x33: {  	p0 =	seq.s32 s10, $0x1;
	s10 =	sld [smem:$0x3FAC];
	_ =	sdelay $0x3  }
0x34: {  	[smem:$0x3FAC] =	sst s10  }
0x35: {  	s10 =	sld [smem:$0x3FAB];
	_ =	sdelay $0x3  }
0x36: {  	p1 =	seq.s32 s10, $0x1;
	s10 =	sld [smem:$0x3FAC];
	_ =	sdelay $0x3  }
0x37: {  	[smem:$0x3FAC] =	sst s10  }
0x38: {  	s10 =	sld [smem:$0x3FAD]  }
0x39: {  	_ = 	snop;
	(pc) =	sbr.ind lr, $3  }
0x3a: {  	_ = 	snop  }
0x3b: {  	_ = 	snop  }
0x3c: {  	p2 =	seq.s32 s10, $0x1;
	s10 =	sld [smem:$0x3FAC]  }
0x3d: {  	_ =	shalt  }
0x3e: {  	_ =	shalt  }
0x3f: {  	_ =	shalt  }
0x40: {  	_ =	shalt  }
0x41: {  	_ =	shalt  }
0x42: {  	_ =	shalt  }
0x43: {  	_ =	shalt  }
0x44: {  	_ =	shalt  }
0x45: {  	_ =	shalt  }
0x46: {  	_ =	shalt  }
0x47: {  	_ =	shalt  }
0x48: {  	_ =	shalt  }
0x49: {  	_ =	shalt  }
0x4a: {  	_ =	shalt  }
0x4b: {  	_ =	shalt  }
0x4c: {  	_ =	shalt  }
0x4d: {  	_ =	shalt  }
0x4e: {  	_ =	shalt  }
0x4f: {  	_ =	shalt  }
0x50: {  	_ =	shalt  }
0x51: {  	_ =	shalt  }
0x52: {  	_ =	shalt  }
0x53: {  	_ =	shalt  }
0x54: {  	_ =	shalt  }
0x55: {  	_ =	shalt  }
0x56: {  	_ =	shalt  }
0x57: {  	_ =	shalt  }
0x58: {  	_ =	shalt  }
0x59: {  	_ =	shalt  }
0x5a: {  	_ =	shalt  }
0x5b: {  	_ =	shalt  }
0x5c: {  	_ =	shalt  }
0x5d: {  	_ =	shalt  }
0x5e: {  	_ =	shalt  }
0x5f: {  	_ =	shalt  }
0x60: {  	_ =	shalt  }
0x61: {  	_ =	shalt  }
0x62: {  	_ =	shalt  }
0x63: {  	_ =	shalt  }
0x64: {  	_ =	shalt  }
0x65: {  	_ =	shalt  }
0x66: {  	_ =	shalt  }
0x67: {  	_ =	shalt  }
0x68: {  	_ =	shalt  }
0x69: {  	_ =	shalt  }
0x6a: {  	_ =	shalt  }
0x6b: {  	_ =	shalt  }
0x6c: {  	_ =	shalt  }
0x6d: {  	_ =	shalt  }
0x6e: {  	_ =	shalt  }
0x6f: {  	_ =	shalt  }
0x70: {  	_ =	shalt  }
0x71: {  	_ =	shalt  }
0x72: {  	_ =	shalt  }
0x73: {  	_ =	shalt  }
0x74: {  	_ =	shalt  }
0x75: {  	_ =	shalt  }
0x76: {  	_ =	shalt  }
0x77: {  	_ =	shalt  }
0x78: {  	_ =	shalt  }
0x79: {  	_ =	shalt  }
0x7a: {  	_ =	shalt  }
0x7b: {  	_ =	shalt  }
0x7c: {  	_ =	shalt  }
0x7d: {  	_ =	shalt  }
0x7e: {  	_ =	shalt  }
0x7f: {  	_ =	shalt  }
0x80: {  	_ =	shalt  }
0x81: {  	_ =	shalt  }
0x82: {  	_ =	shalt  }
0x83: {  	_ =	shalt  }
0x84: {  	_ =	shalt  }
0x85: {  	_ =	shalt  }
0x86: {  	_ =	shalt  }
0x87: {  	_ =	shalt  }
.Lfunc_end0:
.L_simem_size_0:
called_computation_lowered:
.L_overlay_start_0:
0x88: {  	s2 =	sld [smem:$0x3FD9]  }
0x89: {  	s3 =	sld [smem:$0x3FFE];
	_ =	sdelay $0x1  }
0x8a: {  	s1 =	srdreg.scid  }
0x8b: {  	s0 =	sand.u32 $0x1, s1  }
0x8c: {  	s16 =	sshll.u32 s0, $0xA;
	s2 =	sadd.s32 s3, s2  }
0x8d: {  	s2 =	sadd.s32 s2, s16  }
0x8e: {  	[smem:$0x3FB8] =	sst s2  }
0x8f: {  	_ = 	snop  }
0x90: {  	(tm) =	ssettm $0x1  }
0x91: {  	s17 =	sld [smem:$0x3FFB];
	_ =	sdelay $0x3  }
0x92: {  	_ =	strace s17  }
0x93: {  	s2 =	sld [smem:$0x3FFC];
	_ =	sdelay $0x3  }
0x94: {  	_ =	strace s2  }
0x95: {  	s2 =	sld [smem:$0x3FFD];
	_ =	sdelay $0x3  }
0x96: {  	_ =	strace s2  }
0x97: {  	_ =	strace $0x8FFFFFFF  }
0x98: {  	s18 =	sld [smem:$0x3FDB];
	_ =	sdelay $0x1  }
0x99: {  	s19 =	simm.s32 $_scs_section_size  }
0x9a: {  	s4 =	simm.s32 $_size__tile_overlayer_lowered;
	s5 =	simm.s32 $_tile_overlayer_lowered  }
0x9b: {  	s22 =	simm.s32 $0x1BFF;
	s21 =	sshll.u32 s5, $0x1;
	s2 =	sadd.s32 s19, s18  }
0x9c: {  	s6 =	simm.s32 $0x0;
	s20 =	sshll.u32 s4, $0x1;
	s4 =	sadd.s32 s21, s2  }
0x9d: {  	[timem:s6], [sflag:s22] =	dma.local [hbm:s4], s20  }
0x9e: {  	_ =	swait.ge [sflag:s22], s20  }
0x9f: {  	s3 =	ssub.s32 $0x0, s20;
	[sflag:s22] =	ssyncset.done $0x0  }
0xa0: {  	[sflag:s22] =	ssyncadd.s32 s3;
	_ =	sdelay $0x1  }
0xa1: {  	s23 =	simm.s32 $0x1B8B  }
0xa2: {  	_ =	swait.ge [sflag:s23], $0x1  }
0xa3: {  	[sflag:s23] =	ssyncset.done $0x0  }
0xa4: {  	s25 =	simm.s32 $0x1B8E;
	s24 =	sld [smem:$0x3FFE];
	[sflag:s23] =	ssyncadd.s32 $0xFFFFFFFF  }
0xa5: {  	s26 =	simm.s32 $execute0_lowered;
	[smem:$0x3FD2] =	sst s25  }
0xa6: {  	s4 =	sshll.u32 s26, $0x1;
	_ =	strace $0x80000046;
	[dreg:$0x1] =	wrdreg $0xFFFFFFFF  }
0xa7: {  	s28 =	simm.s32 $_size_execute0_lowered;
	s2 =	sadd.s32 s2, s4;
	[dreg:$0x0] =	wrdreg $0x0  }
0xa8: {  	s4 =	sshll.u32 s28, $0x1;
	[dreg:$0x2] =	wrdreg s2  }
0xa9: {  	[dreg:$0x3] =	wrdreg s4  }
0xaa: {  	[dreg:$0x4] =	wrdreg $0xC0  }
0xab: {  	_ =	task [dreg:s6], $0x5FFFF  }
0xac: {  	[dreg:$0x1] =	wrdreg $0xFFFFFFFF  }
0xad: {  	[dreg:$0x0] =	wrdreg $0x60  }
0xae: {  	[dreg:$0x2] =	wrdreg s24  }
0xaf: {  	[dreg:$0x3] =	wrdreg $0x55000  }
0xb0: {  	[dreg:$0x4] =	wrdreg $0x9  }
0xb1: {  	_ =	task.clear_ibuf [dreg:s6], $0x5FFFF;
	_ =	strace $0x90000046  }
0xb2: {  	s29 =	simm.s32 $0x9;
	_ =	strace $0x80000048  }
0xb3: {  	_ =	swait.ge [sflag:s29], $0x1  }
0xb4: {  	[sflag:s29] =	ssyncadd.s32 $0xFFFFFFFF  }
0xb5: {  	_ =	strace $0x90000048  }
0xb6: {  	_ =	sfence  }
0xb7: {  	s30 =	sld [smem:$0x0];
	_ =	sdelay $0x2  }
0xb8: {  	s31 =	sshll.u32 s1, $0xD;
	s1 =	sshrl.u32 s1, $0x2  }
0xb9: {  	s3 =	sand.u32 $0x4000, s31;
	s1 =	sadd.s32 s1, s30  }
0xba: {  	s0 =	sor.u32 s3, s0;
	s1 =	sshll.u32 s1, $0x11  }
0xbb: {  	s0 =	sor.u32 s1, s0  }
0xbc: {  	s0 =	sadd.s32 $0x8F2B, s0  }
0xbd: {  	[sflag:s0] =	ssyncadd.remote.s32 $0x1  }
0xbe: {  	_ =	sfence.sel $0xFFFF  }
0xbf: {  	[dreg:$0x0] =	wrdreg $0xFFFFFFFF;
	(pc) =	sbr.abs _section_cstart, $3  }
0xc0: {  	[dreg:$0x1] =	wrdreg $0xFFFFFFFF  }
0xc1: {  	_ =	task.clear_ibuf [dreg:s6], $0x2FFFF;
	_ =	strace $0x9FFFFFFF  }
0xc2: {  	(tm) =	ssettm $0x7FFFFFFF  }
0xc3: {  	_ =	shalt  }
tec
execute0_lowered:
.L_overlay_start_1:
0x0: {  	(tag) =	ssettag $0x1  }
0x1: {  	s4 =	rddreg [dreg:$0x0]  }
0x2: {  	s0 =	srdreg.scid;
	s2 =	rddreg [dreg:$0x1]  }
0x3: {  	s1 =	rddreg [dreg:$0x2];
	s5 =	sand.u32 $0x1, s0  }
0x4: {  	s0 =	stileid.u32;
	s6 =	smul.u32 $0x52000, s5  }
0x5: {  	s3 =	simm.s32 $0x0;
	s10 =	simm.s32 $0x80;
	s7 =	smul.u32 $0x5200, s0  }
0x6: {  	s11 =	simm.s32 $0x5200;
	s14 =	simm.s32 $0x0;
	s8 =	smul.u32 $0x280, s0  }
0x7: {  	[smem:$0x7FF] =	sst s3;
	s9 =	smul.u32 $0x2800, s5;
	s5 =	ssub.s32 $0x2, s5  }
0x8: {  	_ =	strace $0x80000047;
	s12 =	sshll.u32 s0, $0x6;
	s31 =	sshrl.u32 s5, $0x1  }
0x9: {  	s12 =	sor.u32 $0x1C01, s12;
	s6 =	sadd.s32 s7, s6;
	s30 =	sadd.s32 s8, s9  }
0xa: {  	s9 =	ssub.s32 s5, s31;
	s6 =	sshrl.u32 s6, $0x3;
	s7 =	sshrl.u32 s30, $0x3  }
0xb: {  	s6 =	sadd.s32 s6, s4;
	s7 =	sadd.s32 s7, s4;
	s4 =	sadd.s32 s8, s2  }
0xc: {  	s8 =	simm.s32 $0x5280;
	s5 =	sadd.s32 $0x1E00, s6;
	s6 =	sadd.s32 $0x16600, s7  }
0xd: {  	v0 =	vimm.f32 $1.000000000e+00;
	v1 =	vimm.f32 $0.0e+00;
	s7 =	smax.u32 s9, $0x1;
	s9 =	simm.s32 $0x1;
	s13 =	sshrl.u32 s4, $0x3  }
.LBB2_1:
0xe: {  	[tilespmem:$0x5200] =	vst v0  }
0xf: {  	[tilespmem:$0x5210] =	vst v0  }
0x10: {  	[tilespmem:$0x5220] =	vst v0  }
0x11: {  	[tilespmem:$0x5230] =	vst v0  }
0x12: {  	[tilespmem:$0x5240] =	vst v0  }
0x13: {  	[tilespmem:$0x5250] =	vst v0  }
0x14: {  	[tilespmem:$0x5260] =	vst v0  }
0x15: {  	[tilespmem:$0x5270] =	vst v0  }
0x16: {  	[tilespmem:$0x5280] =	vst v1  }
0x17: {  	[tilespmem:$0x5290] =	vst v1  }
0x18: {  	[tilespmem:$0x52A0] =	vst v1  }
0x19: {  	[tilespmem:$0x52B0] =	vst v1  }
0x1a: {  	[tilespmem:$0x52C0] =	vst v1  }
0x1b: {  	[tilespmem:$0x52D0] =	vst v1  }
0x1c: {  	[tilespmem:$0x52E0] =	vst v1  }
0x1d: {  	[tilespmem:$0x52F0] =	vst v1  }
0x1e: {  	[tilespmem:$0x5300] =	vst v1  }
0x1f: {  	[tilespmem:$0x5310] =	vst v1  }
0x20: {  	[tilespmem:$0x5320] =	vst v1  }
0x21: {  	[tilespmem:$0x5330] =	vst v1  }
0x22: {  	[tilespmem:$0x5340] =	vst v1  }
0x23: {  	[tilespmem:$0x5350] =	vst v1  }
0x24: {  	[tilespmem:$0x5360] =	vst v1  }
0x25: {  	[tilespmem:$0x5370] =	vst v1  }
0x26: {  	[tilespmem:$0x5380] =	vst v1  }
0x27: {  	[tilespmem:$0x5390] =	vst v1  }
0x28: {  	[tilespmem:$0x53A0] =	vst v1  }
0x29: {  	[tilespmem:$0x53B0] =	vst v1  }
0x2a: {  	[tilespmem:$0x53C0] =	vst v1  }
0x2b: {  	[tilespmem:$0x53D0] =	vst v1  }
0x2c: {  	[tilespmem:$0x53E0] =	vst v1  }
0x2d: {  	[tilespmem:$0x53F0] =	vst v1  }
0x2e: {  	[tilespmem:$0x5400] =	vst v1  }
0x2f: {  	[tilespmem:$0x5410] =	vst v1  }
0x30: {  	[tilespmem:$0x5420] =	vst v1  }
0x31: {  	[tilespmem:$0x5430] =	vst v1  }
0x32: {  	[tilespmem:$0x5440] =	vst v1  }
0x33: {  	[tilespmem:$0x5450] =	vst v1  }
0x34: {  	[tilespmem:$0x5460] =	vst v1  }
0x35: {  	[tilespmem:$0x5470] =	vst v1  }
0x36: {  	[tilespmem:$0x5480] =	vst v1  }
0x37: {  	[tilespmem:$0x5490] =	vst v1  }
0x38: {  	[tilespmem:$0x54A0] =	vst v1  }
0x39: {  	[tilespmem:$0x54B0] =	vst v1  }
0x3a: {  	[tilespmem:$0x54C0] =	vst v1  }
0x3b: {  	[tilespmem:$0x54D0] =	vst v1  }
0x3c: {  	[tilespmem:$0x54E0] =	vst v1  }
0x3d: {  	[tilespmem:$0x54F0] =	vst v1  }
0x3e: {  	[spmem:s4] =	stream.linear.scatter [tilespmem:s8], [sflag:$0x1], $0x280, $0x38;
	[tilespmem:$0x5780] =	vst v63  }
0x3f: {  	_ =	swait.ge [sflag:s9], $0x280  }
0x40: {  	[sflag:s9] =	ssyncset.done $0x0  }
0x41: {  	[sflag:s9] =	ssyncadd.s32 $0xFFFFFD80  }
0x42: {  	[bflag:$0x0] =	sbarrier.arrive $0xFFFF  }
0x43: {  	[tilespmem:s3], [sflag:$0x1] =	stream.linear.gather [hbm4b:s5+s3], $0x5200, $0x38;
	[tilespmem:$0x5780] =	vst v63  }
0x44: {  	_ =	swait.ge [sflag:s9], $0x5200  }
0x45: {  	[sflag:s9] =	ssyncset.done $0x0  }
0x46: {  	s15 =	simm.s32 $0x0;
	[sflag:s9] =	ssyncadd.s32 $0xFFFFAE00  }
0x47: {  	[spmem:s2] =	stream.indirect.scatter.add.f32 [tilespmem:s11], [sflag:$0x1], $0x1, s15, s10, $0xb8;
	[tilespmem:$0x5780] =	vst v63  }
0x48: {  	_ =	swait.ge [sflag:s9], $0x80  }
0x49: {  	s15 =	simm.s32 $0x200;
	[sflag:s9] =	ssyncset.done $0x0  }
.LBB2_2:
0x4a: {  	s16 =	sshra.s32 s15, $0x2;
	[sflag:s9] =	ssyncadd.s32 $0xFFFFFF80;
	p0 =	sne.s32 s15, $0x14600  }
0x4b: {  	[spmem:s2] =	stream.indirect.scatter.add.f32 [tilespmem:s11], [sflag:$0x1], $0x1, s16, s10, $0xb8;
	[tilespmem:$0x5780] =	vst v63  }
.Ltmp0:
0x4c: {  	_ = 	snop;
	(pc) =	sbr.rel @p0 .LBB2_2-.Ltmp0, $4  }
0x4d: {  	_ = 	snop  }
0x4e: {  	s15 =	sadd.s32 $0x200, s15  }
0x4f: {  	_ =	swait.ge [sflag:s9], $0x80  }
0x50: {  	[sflag:s9] =	ssyncset.done $0x0  }
0x51: {  	s14 =	sadd.s32 $0x1, s14  }
0x52: {  	[sflag:s9] =	ssyncadd.s32 $0xFFFFFF80;
	p0 =	sne.s32 s14, s7  }
.Ltmp1:
0x53: {  	[bflag:$0x0] =	sbarrier.arrive $0xFFFF;
	(pc) =	sbr.rel @p0 .LBB2_1-.Ltmp1, $4  }
0x54: {  	[hbm:s6], [sflag:s12] =	dma.local [spmem:s13], $0x50  }
0x55: {  	_ =	swait.ge [sflag:s9], $0x50  }
0x56: {  	[sflag:s9] =	ssyncset.done $0x0  }
0x57: {  	[sflag:s9] =	ssyncadd.s32 $0xFFFFFFB0  }
0x58: {  	_ =	sfence.sel $0x180000  }
0x59: {  	[bflag:$0x0] =	sbarrier.arrive $0xFFFF  }
0x5a: {  	p0 =	sne.s32 s0, $0x0;
	_ =	strace $0x90000047  }
0x5b: {  	s0 =	sadd.s32 @!p0 $0x100000, s1;
	[bflag:$0x2] =	sbarrier.arrive $0xFFFF  }
0x5c: {  	[sflag:s0] =	ssyncadd.tile.s32 @!p0 $0x1;
	_ =	shalt  }
.Lfunc_end2:
_tile_overlayer_lowered:
.L_overlay_start_2:
0x5d: {  	(tag) =	ssettag $0x2  }
0x5e: {  	s0 =	rddreg [dreg:$0x0];
	s2 =	stileid.u32  }
0x5f: {  	s1 =	rddreg [dreg:$0x1];
	p0 =	sne.s32 s2, $0x0  }
0x60: {  	s3 =	rddreg [dreg:$0x2];
	[bflag:$0x3] =	sbarrier.arrive $0xFFFF;
	s2 =	simm.s32 @!p0 $0x1C01  }
0x61: {  	[timem:s3], [sflag:s2] =	dma.local @!p0 [hbm:s0], s1  }
0x62: {  	s0 =	simm.s32 @!p0 $0x1  }
0x63: {  	_ =	swait.ge @!p0 [sflag:s0], s1  }
0x64: {  	s1 =	ssub.s32 @!p0 $0x0, s1;
	[sflag:s0] =	ssyncset.done @!p0 $0x0  }
0x65: {  	[sflag:s0] =	ssyncadd.s32 @!p0 s1  }
0x66: {  	[bflag:$0x3] =	sbarrier.arrive $0xFFFF  }
0x67: {  	_ =	shalt  }

// kernel: kernel.9.cloned.1.call-start
scs
__scs_entry_jumppad:
0x0: {  	(pc) =	sbr.rel $0x88, $3  }
0x1: {  	(tag) =	ssettag $0x0;
	lr =	simm.s32 $0x1  }
0x2: {  	[smem:$0x3F91] =	sst lr;
	_ =	strace $0xD0000000  }
0x3: {  	_ = 	snop  }
0x4: {  	_ = 	snop  }
0x5: {  	_ = 	snop  }
0x6: {  	_ = 	snop  }
0x7: {  	_ = 	snop  }
__scs_overlays_trampoline_lowered:
0x8: {  	[smem:$0x3FA0] =	sst s0  }
0x9: {  	[smem:$0x3FA1] =	sst s1  }
0xa: {  	[smem:$0x3FA2] =	sst s2  }
0xb: {  	[smem:$0x3FA3] =	sst s3  }
0xc: {  	[smem:$0x3FA4] =	sst s4  }
0xd: {  	[smem:$0x3FA5] =	sst s5  }
0xe: {  	[smem:$0x3FA6] =	sst s6  }
0xf: {  	[smem:$0x3FA7] =	sst s7  }
0x10: {  	[smem:$0x3FA8] =	sst s8  }
0x11: {  	[smem:$0x3FA9] =	sst s9;
	s0 =	simm.s32 @!p0 $0x0  }
0x12: {  	s1 =	sld [smem:$0x3F8F];
	s0 =	simm.s32 @p0 $0x1  }
0x13: {  	[smem:$0x3FAA] =	sst s0;
	s0 =	simm.s32 @!p1 $0x0  }
0x14: {  	s2 =	sld [smem:$0x3F8E];
	s0 =	simm.s32 @p1 $0x1  }
0x15: {  	[smem:$0x3FAB] =	sst s0;
	s0 =	simm.s32 @!p2 $0x0  }
0x16: {  	s3 =	sld [smem:$0x3FDB];
	s0 =	simm.s32 @p2 $0x1  }
0x17: {  	s4 =	simm.s32 $0x1BF5;
	[smem:$0x3FAD] =	sst s0  }
0x18: {  	s0 =	sld [smem:$0x3F90];
	_ =	swait.ge [sflag:s4], $0x0  }
0x19: {  	s7 =	sld [smem:$0x3F91]  }
0x1a: {  	s8 =	sadd.s32 $0xFFFFE003, lr  }
0x1b: {  	s9 =	sadd.s32 $0xFFFFFEF7, lr;
	s5 =	simm.s32 $0xFFFFFFFF;
	p2 =	slt.u32 s8, $0xFFFFF086  }
0x1c: {  	p1 =	slt.u32 s9, $0xF7A;
	s5 =	simm.s32 @!p2 $0x0  }
0x1d: {  	s5 =	simm.s32 @p1 $0x1;
	p0 =	seq.s32 s7, s2  }
0x1e: {  	s7 =	smul.u32 @!p0 $0xF7A, s2;
	p2 =	seq.s32 @!p0 s5, $0x0  }
0x1f: {  	s9 =	smul.u32 $0xF7A, s1;
	s8 =	simm.s32 @!p0 $0x1BF5;
	p2 =	por !p2, p0  }
0x20: {  	[sflag:s8] =	ssyncset.s32 @!p0 $0xFFFFF086;
	s6 =	sadd.s32 @!p0 s3, s7;
	s7 =	simm.s32 @!p0 $0x108  }
0x21: {  	s3 =	sadd.s32 s3, s9;
	s6 =	sadd.s32 @!p0 $0x88, s6;
	s7 =	simm.s32 @p2 $0x1082  }
0x22: {  	[simem:s7], [sflag:s8] =	dma.local @!p0 [hbm:s6], $0xF7A  }
0x23: {  	s9 =	sor.u32 $0xD0000000, s2;
	s6 =	simm.s32 $0x108;
	_ =	swait.ge @!p0 [sflag:s8], $0x0  }
0x24: {  	s3 =	sadd.s32 $0x88, s3;
	s6 =	simm.s32 @!p1 $0x1082;
	[sflag:s4] =	ssyncset.s32 $0xFFFFF086  }
0x25: {  	[simem:s6], [sflag:s4] =	dma.local [hbm:s3], $0xF7A  }
0x26: {  	[smem:$0x3F91] =	sst s1;
	(tag) =	ssettag s2;
	_ =	strace s9  }
0x27: {  	s1 =	sld [smem:$0x3FA1]  }
0x28: {  	s2 =	sld [smem:$0x3FA2]  }
0x29: {  	s4 =	sld [smem:$0x3FA4]  }
0x2a: {  	p0 =	seq.s32 s5, $0x0;
	s5 =	sld [smem:$0x3FA5]  }
0x2b: {  	s6 =	sld [smem:$0x3FA6]  }
0x2c: {  	s7 =	sld [smem:$0x3FA7]  }
0x2d: {  	s3 =	simm.s32 $0x108;
	s8 =	sld [smem:$0x3FA8]  }
0x2e: {  	s3 =	simm.s32 @!p0 $0x1082;
	s9 =	sld [smem:$0x3FA9]  }
0x2f: {  	lr =	sadd.s32 s0, s3;
	s0 =	sld [smem:$0x3FA0]  }
0x30: {  	s3 =	sld [smem:$0x3FA3]  }
0x31: {  	[smem:$0x3FAC] =	sst s10  }
0x32: {  	s10 =	sld [smem:$0x3FAA];
	_ =	sdelay $0x3  }
0x33: {  	p0 =	seq.s32 s10, $0x1;
	s10 =	sld [smem:$0x3FAC];
	_ =	sdelay $0x3  }
0x34: {  	[smem:$0x3FAC] =	sst s10  }
0x35: {  	s10 =	sld [smem:$0x3FAB];
	_ =	sdelay $0x3  }
0x36: {  	p1 =	seq.s32 s10, $0x1;
	s10 =	sld [smem:$0x3FAC];
	_ =	sdelay $0x3  }
0x37: {  	[smem:$0x3FAC] =	sst s10  }
0x38: {  	s10 =	sld [smem:$0x3FAD]  }
0x39: {  	_ = 	snop;
	(pc) =	sbr.ind lr, $3  }
0x3a: {  	_ = 	snop  }
0x3b: {  	_ = 	snop  }
0x3c: {  	p2 =	seq.s32 s10, $0x1;
	s10 =	sld [smem:$0x3FAC]  }
0x3d: {  	_ =	shalt  }
0x3e: {  	_ =	shalt  }
0x3f: {  	_ =	shalt  }
0x40: {  	_ =	shalt  }
0x41: {  	_ =	shalt  }
0x42: {  	_ =	shalt  }
0x43: {  	_ =	shalt  }
0x44: {  	_ =	shalt  }
0x45: {  	_ =	shalt  }
0x46: {  	_ =	shalt  }
0x47: {  	_ =	shalt  }
0x48: {  	_ =	shalt  }
0x49: {  	_ =	shalt  }
0x4a: {  	_ =	shalt  }
0x4b: {  	_ =	shalt  }
0x4c: {  	_ =	shalt  }
0x4d: {  	_ =	shalt  }
0x4e: {  	_ =	shalt  }
0x4f: {  	_ =	shalt  }
0x50: {  	_ =	shalt  }
0x51: {  	_ =	shalt  }
0x52: {  	_ =	shalt  }
0x53: {  	_ =	shalt  }
0x54: {  	_ =	shalt  }
0x55: {  	_ =	shalt  }
0x56: {  	_ =	shalt  }
0x57: {  	_ =	shalt  }
0x58: {  	_ =	shalt  }
0x59: {  	_ =	shalt  }
0x5a: {  	_ =	shalt  }
0x5b: {  	_ =	shalt  }
0x5c: {  	_ =	shalt  }
0x5d: {  	_ =	shalt  }
0x5e: {  	_ =	shalt  }
0x5f: {  	_ =	shalt  }
0x60: {  	_ =	shalt  }
0x61: {  	_ =	shalt  }
0x62: {  	_ =	shalt  }
0x63: {  	_ =	shalt  }
0x64: {  	_ =	shalt  }
0x65: {  	_ =	shalt  }
0x66: {  	_ =	shalt  }
0x67: {  	_ =	shalt  }
0x68: {  	_ =	shalt  }
0x69: {  	_ =	shalt  }
0x6a: {  	_ =	shalt  }
0x6b: {  	_ =	shalt  }
0x6c: {  	_ =	shalt  }
0x6d: {  	_ =	shalt  }
0x6e: {  	_ =	shalt  }
0x6f: {  	_ =	shalt  }
0x70: {  	_ =	shalt  }
0x71: {  	_ =	shalt  }
0x72: {  	_ =	shalt  }
0x73: {  	_ =	shalt  }
0x74: {  	_ =	shalt  }
0x75: {  	_ =	shalt  }
0x76: {  	_ =	shalt  }
0x77: {  	_ =	shalt  }
0x78: {  	_ =	shalt  }
0x79: {  	_ =	shalt  }
0x7a: {  	_ =	shalt  }
0x7b: {  	_ =	shalt  }
0x7c: {  	_ =	shalt  }
0x7d: {  	_ =	shalt  }
0x7e: {  	_ =	shalt  }
0x7f: {  	_ =	shalt  }
0x80: {  	_ =	shalt  }
0x81: {  	_ =	shalt  }
0x82: {  	_ =	shalt  }
0x83: {  	_ =	shalt  }
0x84: {  	_ =	shalt  }
0x85: {  	_ =	shalt  }
0x86: {  	_ =	shalt  }
0x87: {  	_ =	shalt  }
.Lfunc_end0:
.L_simem_size_0:
called_computation.1_lowered:
.L_overlay_start_0:
0x88: {  	s2 =	sld [smem:$0x3FD9]  }
0x89: {  	s3 =	sld [smem:$0x3FFE];
	_ =	sdelay $0x1  }
0x8a: {  	s1 =	srdreg.scid  }
0x8b: {  	s0 =	sand.u32 $0x1, s1  }
0x8c: {  	s16 =	sshll.u32 s0, $0xA;
	s2 =	sadd.s32 s3, s2  }
0x8d: {  	s2 =	sadd.s32 s2, s16  }
0x8e: {  	[smem:$0x3FB8] =	sst s2  }
0x8f: {  	_ = 	snop  }
0x90: {  	(tm) =	ssettm $0x1  }
0x91: {  	s17 =	sld [smem:$0x3FFB];
	_ =	sdelay $0x3  }
0x92: {  	_ =	strace s17  }
0x93: {  	s2 =	sld [smem:$0x3FFC];
	_ =	sdelay $0x3  }
0x94: {  	_ =	strace s2  }
0x95: {  	s2 =	sld [smem:$0x3FFD];
	_ =	sdelay $0x3  }
0x96: {  	_ =	strace s2  }
0x97: {  	_ =	strace $0x8FFFFFFF  }
0x98: {  	s18 =	sld [smem:$0x3FDB];
	_ =	sdelay $0x1  }
0x99: {  	s19 =	simm.s32 $_scs_section_size  }
0x9a: {  	s4 =	simm.s32 $_size__tile_overlayer_lowered;
	s5 =	simm.s32 $_tile_overlayer_lowered  }
0x9b: {  	s22 =	simm.s32 $0x1BFF;
	s21 =	sshll.u32 s5, $0x1;
	s2 =	sadd.s32 s19, s18  }
0x9c: {  	s6 =	simm.s32 $0x0;
	s20 =	sshll.u32 s4, $0x1;
	s4 =	sadd.s32 s21, s2  }
0x9d: {  	[timem:s6], [sflag:s22] =	dma.local [hbm:s4], s20  }
0x9e: {  	_ =	swait.ge [sflag:s22], s20  }
0x9f: {  	s3 =	ssub.s32 $0x0, s20;
	[sflag:s22] =	ssyncset.done $0x0  }
0xa0: {  	[sflag:s22] =	ssyncadd.s32 s3;
	_ =	sdelay $0x1  }
0xa1: {  	s23 =	simm.s32 $0x1B8B  }
0xa2: {  	_ =	swait.ge [sflag:s23], $0x1  }
0xa3: {  	[sflag:s23] =	ssyncset.done $0x0  }
0xa4: {  	s25 =	simm.s32 $0x1B8E;
	s24 =	sld [smem:$0x3FFE];
	[sflag:s23] =	ssyncadd.s32 $0xFFFFFFFF  }
0xa5: {  	s26 =	simm.s32 $execute0_lowered;
	[smem:$0x3FD2] =	sst s25  }
0xa6: {  	s4 =	sshll.u32 s26, $0x1;
	_ =	strace $0x80000049;
	[dreg:$0x1] =	wrdreg $0xFFFFFFFF  }
0xa7: {  	s28 =	simm.s32 $_size_execute0_lowered;
	s2 =	sadd.s32 s2, s4;
	[dreg:$0x0] =	wrdreg $0x0  }
0xa8: {  	s4 =	sshll.u32 s28, $0x1;
	[dreg:$0x2] =	wrdreg s2  }
0xa9: {  	[dreg:$0x3] =	wrdreg s4  }
0xaa: {  	[dreg:$0x4] =	wrdreg $0xC0  }
0xab: {  	_ =	task [dreg:s6], $0x5FFFF  }
0xac: {  	[dreg:$0x1] =	wrdreg $0xFFFFFFFF  }
0xad: {  	[dreg:$0x0] =	wrdreg $0x60  }
0xae: {  	[dreg:$0x2] =	wrdreg s24  }
0xaf: {  	[dreg:$0x3] =	wrdreg $0xC4000  }
0xb0: {  	[dreg:$0x4] =	wrdreg $0x9  }
0xb1: {  	_ =	task.clear_ibuf [dreg:s6], $0x5FFFF;
	_ =	strace $0x90000049  }
0xb2: {  	s29 =	simm.s32 $0x9;
	_ =	strace $0x8000004B  }
0xb3: {  	_ =	swait.ge [sflag:s29], $0x1  }
0xb4: {  	[sflag:s29] =	ssyncadd.s32 $0xFFFFFFFF  }
0xb5: {  	_ =	strace $0x9000004B  }
0xb6: {  	_ =	sfence  }
0xb7: {  	s30 =	sld [smem:$0x0];
	_ =	sdelay $0x2  }
0xb8: {  	s31 =	sshll.u32 s1, $0xD;
	s1 =	sshrl.u32 s1, $0x2  }
0xb9: {  	s3 =	sand.u32 $0x4000, s31;
	s1 =	sadd.s32 s1, s30  }
0xba: {  	s0 =	sor.u32 s3, s0;
	s1 =	sshll.u32 s1, $0x11  }
0xbb: {  	s0 =	sor.u32 s1, s0  }
0xbc: {  	s0 =	sadd.s32 $0x8F2B, s0  }
0xbd: {  	[sflag:s0] =	ssyncadd.remote.s32 $0x1  }
0xbe: {  	_ =	sfence.sel $0xFFFF  }
0xbf: {  	[dreg:$0x0] =	wrdreg $0xFFFFFFFF;
	(pc) =	sbr.abs _section_cstart, $3  }
0xc0: {  	[dreg:$0x1] =	wrdreg $0xFFFFFFFF  }
0xc1: {  	_ =	task.clear_ibuf [dreg:s6], $0x2FFFF;
	_ =	strace $0x9FFFFFFF  }
0xc2: {  	(tm) =	ssettm $0x7FFFFFFF  }
0xc3: {  	_ =	shalt  }
tec
execute0_lowered:
.L_overlay_start_1:
0x0: {  	(tag) =	ssettag $0x1  }
0x1: {  	s0 =	rddreg [dreg:$0x0];
	s1 =	srdreg.scid  }
0x2: {  	s2 =	rddreg [dreg:$0x1];
	s7 =	stileid.u32  }
0x3: {  	s3 =	simm.s32 $0x0;
	s28 =	simm.s32 $0xB400;
	s6 =	smul.u32 $0x14000, s7  }
0x4: {  	s29 =	simm.s32 $0x1;
	s1 =	sand.u32 $0x1, s1;
	s17 =	smul.u32 $0xA000, s7  }
0x5: {  	s30 =	simm.s32 $0x3;
	s31 =	simm.s32 $0x2;
	s4 =	smul.u32 $0x52000, s1  }
0x6: {  	[smem:$0x7FF] =	sst s3;
	s16 =	smul.u32 $0xA0000, s1;
	s1 =	ssub.s32 $0x2, s1  }
0x7: {  	s5 =	smul.u32 $0x5200, s7;
	_ =	strace $0x8000004A;
	s25 =	sshrl.u32 s1, $0x1  }
0x8: {  	s6 =	sshrl.u32 s6, $0x2;
	s14 =	sshrl.u32 s17, $0x1;
	s18 =	sadd.s32 $0x4000, s17  }
0x9: {  	s22 =	sadd.s32 $0x8000, s17;
	s5 =	sadd.s32 s5, s4;
	s4 =	sadd.s32 $0x2B800, s0  }
0xa: {  	s8 =	sadd.s32 s16, s17;
	s1 =	ssub.s32 s1, s25;
	s20 =	sadd.s32 s14, s2  }
0xb: {  	s19 =	sadd.s32 s16, s18;
	s18 =	sshrl.u32 s18, $0x1;
	s5 =	sshrl.u32 s5, $0x3  }
0xc: {  	s8 =	sshrl.u32 s8, $0x4;
	s9 =	smax.u32 s1, $0x1;
	s23 =	sadd.s32 s18, s2  }
0xd: {  	s24 =	sadd.s32 s5, s0;
	s0 =	sadd.s32 $0x3F800, s0;
	s5 =	sadd.s32 s6, s2  }
0xe: {  	s6 =	sadd.s32 $0x2000, s17;
	s23 =	sshrl.u32 s23, $0x3;
	s26 =	sadd.s32 $0x17000, s24  }
0xf: {  	s7 =	sadd.s32 $0x1E00, s24;
	s8 =	sadd.s32 s0, s8;
	s10 =	sadd.s32 $0x1000, s5  }
0x10: {  	s11 =	sadd.s32 $0x2000, s5;
	s12 =	sadd.s32 $0x3000, s5;
	s13 =	sadd.s32 $0x4000, s5  }
0x11: {  	s15 =	sadd.s32 s16, s6;
	s1 =	sshrl.u32 s6, $0x1;
	s24 =	sadd.s32 s16, s22  }
0x12: {  	[dreg:$0x3] =	wrdreg s26;
	s15 =	sshrl.u32 s15, $0x4;
	s1 =	sadd.s32 s1, s2  }
0x13: {  	s18 =	sshrl.u32 s24, $0x4;
	s26 =	sshrl.u32 s22, $0x1;
	s14 =	sadd.s32 s0, s15  }
0x14: {  	s15 =	sshrl.u32 s19, $0x4;
	s19 =	sadd.s32 $0x6000, s17;
	s17 =	sadd.s32 s0, s18  }
0x15: {  	s18 =	simm.s32 $0xA400;
	s22 =	sshrl.u32 s1, $0x3;
	s21 =	sadd.s32 s16, s19  }
0x16: {  	s15 =	sadd.s32 s0, s15;
	s25 =	sshrl.u32 s19, $0x1;
	s21 =	sshrl.u32 s21, $0x4  }
0x17: {  	s19 =	simm.s32 $0x5;
	s24 =	sadd.s32 s25, s2;
	s16 =	sadd.s32 s0, s21  }
0x18: {  	s0 =	sadd.s32 s26, s2;
	s21 =	sshrl.u32 s20, $0x3;
	s24 =	sshrl.u32 s24, $0x3  }
0x19: {  	v0 =	vimm.bf16 $0.0e+00;
	s26 =	simm.s32 $0x80;
	s25 =	sshrl.u32 s0, $0x3;
	s0 =	simm.s32 $0x4  }
.LBB2_1:
0x1a: {  	s1 =	simm.s32 $0x80;
	s20 =	simm.s32 $0x0  }
.LBB2_2:
0x1b: {  	p0 =	sne.s32 s1, $0x3F80;
	[tilespmem:s20+$0xA400] =	vst v0;
	s6 =	smov.u32 s1;
	s1 =	sadd.s32 $0x80, s1  }
.Ltmp0:
0x1c: {  	[tilespmem:s20+$0xA410] =	vst v0;
	(pc) =	sbr.rel @p0 .LBB2_2-.Ltmp0, $2  }
0x1d: {  	_ =	sdelay $0x2  }
0x1e: {  	s20 =	sshra.s32 s6, $0x2  }
0x1f: {  	[tilespmem:s20+$0xA400] =	vst v0  }
0x20: {  	[tilespmem:s20+$0xA410] =	vst v0  }
0x21: {  	[spmem:s5] =	stream.linear.scatter [tilespmem:s18], [sflag:$0x5], $0x1000, $0x38;
	[tilespmem:$0x11400] =	vst v63  }
0x22: {  	_ =	swait.ge [sflag:s19], $0x1000  }
0x23: {  	[sflag:s19] =	ssyncset.done $0x0  }
0x24: {  	[sflag:s19] =	ssyncadd.s32 $0xFFFFF000  }
0x25: {  	[spmem:s10] =	stream.linear.scatter [tilespmem:s18], [sflag:$0x5], $0x1000, $0x38;
	[tilespmem:$0x11400] =	vst v63  }
0x26: {  	_ =	swait.ge [sflag:s19], $0x1000  }
0x27: {  	[sflag:s19] =	ssyncset.done $0x0  }
0x28: {  	[sflag:s19] =	ssyncadd.s32 $0xFFFFF000  }
0x29: {  	[spmem:s11] =	stream.linear.scatter [tilespmem:s18], [sflag:$0x5], $0x1000, $0x38;
	[tilespmem:$0x11400] =	vst v63  }
0x2a: {  	_ =	swait.ge [sflag:s19], $0x1000  }
0x2b: {  	[sflag:s19] =	ssyncset.done $0x0  }
0x2c: {  	[sflag:s19] =	ssyncadd.s32 $0xFFFFF000  }
0x2d: {  	[spmem:s12] =	stream.linear.scatter [tilespmem:s18], [sflag:$0x5], $0x1000, $0x38;
	[tilespmem:$0x11400] =	vst v63  }
0x2e: {  	_ =	swait.ge [sflag:s19], $0x1000  }
0x2f: {  	[sflag:s19] =	ssyncset.done $0x0  }
0x30: {  	[sflag:s19] =	ssyncadd.s32 $0xFFFFF000  }
0x31: {  	[spmem:s13] =	stream.linear.scatter [tilespmem:s18], [sflag:$0x5], $0x1000, $0x38;
	[tilespmem:$0x11400] =	vst v63  }
0x32: {  	_ =	swait.ge [sflag:s19], $0x1000  }
0x33: {  	[sflag:s19] =	ssyncset.done $0x0  }
0x34: {  	[sflag:s19] =	ssyncadd.s32 $0xFFFFF000  }
0x35: {  	[bflag:$0x0] =	sbarrier.arrive $0xFFFF  }
0x36: {  	s1 =	simm.s32 $0x0;
	s6 =	rddreg [dreg:$0x3]  }
0x37: {  	[tilespmem:s1], [sflag:$0x5] =	stream.linear.gather [hbm4b:s6+s1], $0x5200, $0x38;
	[tilespmem:$0x11400] =	vst v63  }
0x38: {  	_ =	swait.ge [sflag:s19], $0x5200  }
0x39: {  	[sflag:s19] =	ssyncset.done $0x0  }
0x3a: {  	s20 =	simm.s32 $0x5200;
	[sflag:s19] =	ssyncadd.s32 $0xFFFFAE00  }
0x3b: {  	[tilespmem:s20], [sflag:$0x5] =	stream.linear.gather [hbm4b:s7+s1], $0x5200, $0x38;
	[tilespmem:$0x11400] =	vst v63  }
0x3c: {  	_ =	swait.ge [sflag:s19], $0x5200  }
0x3d: {  	[sflag:s19] =	ssyncset.done $0x0  }
0x3e: {  	[sflag:s19] =	ssyncadd.s32 $0xFFFFAE00  }
0x3f: {  	[tilespmem:s18], [sflag:$0x1] =	stream.indirect.gather [hbm4b:s4+s26], $0x20, s1, s26, $0xb8;
	[tilespmem:$0x11400] =	vst v63  }
0x40: {  	_ = 	snop  }
0x41: {  	[tilespmem:s28], [sflag:$0x2] =	stream.indirect.gather [hbm4b:s4+s26], $0x20, s26, s26, $0xb8;
	[tilespmem:$0x11400] =	vst v63  }
0x42: {  	_ =	swait.ge [sflag:s29], $0x1000  }
0x43: {  	[sflag:s29] =	ssyncset.done $0x0  }
0x44: {  	s20 =	simm.s32 $0x5200;
	[sflag:s29] =	ssyncadd.s32 $0xFFFFF000  }
0x45: {  	[spmem:s2] =	stream.indirect.scatter.add.bf16 [tilespmem:s18], [sflag:$0x3], $0x20, s20, s26, $0xb8;
	[tilespmem:$0x11400] =	vst v63  }
0x46: {  	_ =	swait.ge [sflag:s30], $0x1000  }
0x47: {  	[sflag:s30] =	ssyncset.done $0x0  }
0x48: {  	s6 =	simm.s32 $0x100;
	[sflag:s30] =	ssyncadd.s32 $0xFFFFF000  }
0x49: {  	[tilespmem:s18], [sflag:$0x1] =	stream.indirect.gather [hbm4b:s4+s26], $0x20, s6, s26, $0xb8;
	[tilespmem:$0x11400] =	vst v63  }
0x4a: {  	_ =	swait.ge [sflag:s31], $0x1000  }
0x4b: {  	[sflag:s31] =	ssyncset.done $0x0  }
0x4c: {  	s20 =	simm.s32 $0x5280;
	[sflag:s31] =	ssyncadd.s32 $0xFFFFF000  }
0x4d: {  	[spmem:s2] =	stream.indirect.scatter.add.bf16 [tilespmem:s28], [sflag:$0x4], $0x20, s20, s26, $0xb8;
	[tilespmem:$0x11400] =	vst v63  }
0x4e: {  	_ =	swait.ge [sflag:s0], $0x1000  }
0x4f: {  	[sflag:s0] =	ssyncset.done $0x0  }
0x50: {  	s1 =	simm.s32 $0x400;
	s20 =	simm.s32 $0x180;
	[sflag:s0] =	ssyncadd.s32 $0xFFFFF000  }
.LBB2_4:
0x51: {  	[tilespmem:s28], [sflag:$0x2] =	stream.indirect.gather [hbm4b:s4+s26], $0x20, s20, s26, $0xb8;
	[tilespmem:$0x11400] =	vst v63  }
0x52: {  	s6 =	smov.u32 s1  }
0x53: {  	p0 =	sne.s32 s1, $0x14000;
	s1 =	sadd.s32 $0x400, s1;
	_ =	swait.ge [sflag:s29], $0x1000  }
0x54: {  	s6 =	sshra.s32 s6, $0x2;
	[sflag:s29] =	ssyncset.done $0x0  }
0x55: {  	s20 =	sadd.s32 $0x5200, s6;
	[sflag:s29] =	ssyncadd.s32 $0xFFFFF000  }
0x56: {  	[spmem:s2] =	stream.indirect.scatter.add.bf16 [tilespmem:s18], [sflag:$0x3], $0x20, s20, s26, $0xb8;
	[tilespmem:$0x11400] =	vst v63  }
0x57: {  	_ =	swait.ge [sflag:s30], $0x1000  }
0x58: {  	[sflag:s30] =	ssyncset.done $0x0  }
0x59: {  	s20 =	sadd.s32 $0x100, s6;
	[sflag:s30] =	ssyncadd.s32 $0xFFFFF000  }
0x5a: {  	[tilespmem:s18], [sflag:$0x1] =	stream.indirect.gather [hbm4b:s4+s26], $0x20, s20, s26, $0xb8;
	[tilespmem:$0x11400] =	vst v63  }
0x5b: {  	_ =	swait.ge [sflag:s31], $0x1000  }
0x5c: {  	[sflag:s31] =	ssyncset.done $0x0  }
.Ltmp1:
0x5d: {  	s20 =	sadd.s32 $0x5280, s6;
	[sflag:s31] =	ssyncadd.s32 $0xFFFFF000;
	(pc) =	sbr.rel @p0 .LBB2_4-.Ltmp1, $4  }
0x5e: {  	[spmem:s2] =	stream.indirect.scatter.add.bf16 [tilespmem:s28], [sflag:$0x4], $0x20, s20, s26, $0xb8;
	[tilespmem:$0x11400] =	vst v63  }
0x5f: {  	_ =	swait.ge [sflag:s0], $0x1000  }
0x60: {  	[sflag:s0] =	ssyncset.done $0x0  }
0x61: {  	s20 =	sadd.s32 $0x180, s6;
	[sflag:s0] =	ssyncadd.s32 $0xFFFFF000  }
0x62: {  	[tilespmem:s28], [sflag:$0x2] =	stream.indirect.gather [hbm4b:s4+s26], $0x20, s20, s26, $0xb8;
	[tilespmem:$0x11400] =	vst v63  }
0x63: {  	_ =	swait.ge [sflag:s29], $0x1000  }
0x64: {  	[sflag:s29] =	ssyncset.done $0x0  }
0x65: {  	[sflag:s29] =	ssyncadd.s32 $0xFFFFF000  }
0x66: {  	_ =	swait.ge [sflag:s31], $0x1000  }
0x67: {  	s1 =	stileid.u32;
	[sflag:s31] =	ssyncset.done $0x0  }
0x68: {  	s1 =	sshll.u32 s1, $0x6;
	[sflag:s31] =	ssyncadd.s32 $0xFFFFF000  }
0x69: {  	s1 =	sor.u32 $0x1C05, s1;
	[bflag:$0x0] =	sbarrier.arrive $0xFFFF  }
0x6a: {  	[hbm:s8], [sflag:s1] =	dma.local [spmem:s21], $0x200  }
0x6b: {  	_ =	swait.ge [sflag:s19], $0x200  }
0x6c: {  	[sflag:s19] =	ssyncset.done $0x0  }
0x6d: {  	[sflag:s19] =	ssyncadd.s32 $0xFFFFFE00  }
0x6e: {  	[hbm:s14], [sflag:s1] =	dma.local [spmem:s22], $0x200  }
0x6f: {  	_ =	swait.ge [sflag:s19], $0x200  }
0x70: {  	[sflag:s19] =	ssyncset.done $0x0  }
0x71: {  	[sflag:s19] =	ssyncadd.s32 $0xFFFFFE00  }
0x72: {  	[hbm:s15], [sflag:s1] =	dma.local [spmem:s23], $0x200  }
0x73: {  	_ =	swait.ge [sflag:s19], $0x200  }
0x74: {  	[sflag:s19] =	ssyncset.done $0x0  }
0x75: {  	[sflag:s19] =	ssyncadd.s32 $0xFFFFFE00  }
0x76: {  	[hbm:s16], [sflag:s1] =	dma.local [spmem:s24], $0x200  }
0x77: {  	s3 =	sadd.s32 $0x1, s3;
	_ =	swait.ge [sflag:s19], $0x200  }
0x78: {  	p0 =	sne.s32 s3, s9;
	[sflag:s19] =	ssyncset.done $0x0  }
.Ltmp2:
0x79: {  	[sflag:s19] =	ssyncadd.s32 $0xFFFFFE00;
	(pc) =	sbr.rel @p0 .LBB2_1-.Ltmp2, $4  }
0x7a: {  	[hbm:s17], [sflag:s1] =	dma.local [spmem:s25], $0x200  }
0x7b: {  	_ =	swait.ge [sflag:s19], $0x200  }
0x7c: {  	[sflag:s19] =	ssyncset.done $0x0  }
0x7d: {  	[sflag:s19] =	ssyncadd.s32 $0xFFFFFE00  }
0x7e: {  	_ =	sfence.sel $0x180000  }
0x7f: {  	[bflag:$0x0] =	sbarrier.arrive $0xFFFF  }
0x80: {  	_ =	strace $0x9000004A  }
0x81: {  	s0 =	stileid.u32;
	[bflag:$0x2] =	sbarrier.arrive $0xFFFF  }
0x82: {  	p0 =	sne.s32 s0, $0x0;
	s0 =	rddreg [dreg:$0x2]  }
0x83: {  	s0 =	sadd.s32 @!p0 $0x100000, s0  }
0x84: {  	[sflag:s0] =	ssyncadd.tile.s32 @!p0 $0x1;
	_ =	shalt  }
.Lfunc_end2:
_tile_overlayer_lowered:
.L_overlay_start_2:
0x85: {  	(tag) =	ssettag $0x2  }
0x86: {  	s0 =	rddreg [dreg:$0x0];
	s2 =	stileid.u32  }
0x87: {  	s1 =	rddreg [dreg:$0x1];
	p0 =	sne.s32 s2, $0x0  }
0x88: {  	s3 =	rddreg [dreg:$0x2];
	[bflag:$0x3] =	sbarrier.arrive $0xFFFF;
	s2 =	simm.s32 @!p0 $0x1C05  }
0x89: {  	[timem:s3], [sflag:s2] =	dma.local @!p0 [hbm:s0], s1  }
0x8a: {  	s0 =	simm.s32 @!p0 $0x5  }
0x8b: {  	_ =	swait.ge @!p0 [sflag:s0], s1  }
0x8c: {  	s1 =	ssub.s32 @!p0 $0x0, s1;
	[sflag:s0] =	ssyncset.done @!p0 $0x0  }
0x8d: {  	[sflag:s0] =	ssyncadd.s32 @!p0 s1  }
0x8e: {  	[bflag:$0x3] =	sbarrier.arrive $0xFFFF  }
0x8f: {  	_ =	shalt  }

</sc_bundles>
